<compile_context>
chip_gen: v7x
topology: tpu7x:2x2x1
jax: 0.10.2.dev20260603
libtpu: 0.0.44.dev20260713+nightly
codegen_flags: <defaults>
</compile_context>

<pallas_src>
import functools

import jax
import jax.numpy as jnp
from jax import lax
from jax.experimental import pallas as pl
from jax.experimental.pallas import tpu as pltpu
from jax.experimental.pallas import tpu_sc as plsc

_N_E = 8192
_E_DIM = 256
_BETA = 0.25

_BM = 4096
_BN = 2048


def _dist_argmin_body(z_ref, w_ref, rs_ref, cs_ref, idx_ref, rmin_ref, ridx_ref):
    n = pl.program_id(0)
    m = pl.program_id(1)
    msl = pl.ds(m * _BM, _BM)

    @pl.when(n == 0)
    def _init():
        rmin_ref[msl, :] = jnp.full((_BM, 1), jnp.inf, jnp.float32)
        ridx_ref[msl, :] = jnp.zeros((_BM, 1), jnp.int32)

    mm2 = lax.dot_general(
        z_ref[...], w_ref[...],
        dimension_numbers=(((1,), (1,)), ((), ())),
        preferred_element_type=jnp.float32,
    )
    rs = rs_ref[...]
    v = None
    for c in range(_BN // 128):
        csc = cs_ref[:, c * 128:(c + 1) * 128]
        d2 = (rs + csc) - mm2[:, c * 128:(c + 1) * 128]
        dc = jnp.maximum(d2, 0.0)
        zdc = dc * lax.rsqrt(dc)
        if v is None:
            v = zdc
            ci = jnp.zeros((_BM, 128), jnp.float32)
        else:
            lt = zdc < v
            v = jnp.where(lt, zdc, v)
            ci = jnp.where(lt, jnp.float32(c * 128), ci)
    bmin = jnp.min(v, axis=1, keepdims=True)
    lane = lax.broadcasted_iota(jnp.int32, (_BM, 128), 1).astype(jnp.float32)
    jf = jnp.min(
        jnp.where(v == bmin, ci + lane, jnp.float32(3.0e38)),
        axis=1, keepdims=True,
    )
    bidx = n * _BN + jf.astype(jnp.int32)
    prev = rmin_ref[msl, :]
    better = bmin < prev
    bq = bmin.astype(jnp.bfloat16).astype(jnp.float32)
    rmin_ref[msl, :] = jnp.where(better, bq, prev)
    ridx_ref[msl, :] = jnp.where(better, bidx, ridx_ref[msl, :])

    @pl.when(n == pl.num_programs(0) - 1)
    def _emit():
        idx_ref[...] = ridx_ref[msl, :]


def _dist_argmin(z_flat, W, rs, cs):
    grid = (_N_E // _BN, z_flat.shape[0] // _BM)
    return pl.pallas_call(
        _dist_argmin_body,
        grid=grid,
        in_specs=[
            pl.BlockSpec((_BM, _E_DIM), lambda n, m: (m, 0)),
            pl.BlockSpec((_BN, _E_DIM), lambda n, m: (n, 0)),
            pl.BlockSpec((_BM, 1), lambda n, m: (m, 0)),
            pl.BlockSpec((1, _BN), lambda n, m: (0, n)),
        ],
        out_specs=pl.BlockSpec((_BM, 1), lambda n, m: (m, 0)),
        out_shape=jax.ShapeDtypeStruct((z_flat.shape[0], 1), jnp.int32),
        scratch_shapes=[
            pltpu.VMEM((z_flat.shape[0], 1), jnp.float32),
            pltpu.VMEM((z_flat.shape[0], 1), jnp.int32),
        ],
        compiler_params=pltpu.CompilerParams(
            dimension_semantics=("arbitrary", "arbitrary"),
        ),
    )(z_flat, W, rs, cs)


def _make_sc_gather(B, D):
    info = plsc.get_sparse_core_info()
    nw = info.num_cores * info.num_subcores
    b_per_w = B // nw
    mesh = plsc.VectorSubcoreMesh(core_axis_name="c", subcore_axis_name="s")

    @functools.partial(
        pl.kernel, mesh=mesh,
        out_type=jax.ShapeDtypeStruct((B, D), jnp.float32),
        scratch_types=[
            pltpu.VMEM((b_per_w,), jnp.int32),
            pltpu.VMEM((b_per_w, D), jnp.float32),
            pltpu.SemaphoreType.DMA,
        ],
    )
    def gather_rows(idx_hbm, table_hbm, out_hbm, idx_v, rows_v, sem):
        wid = lax.axis_index("s") * info.num_cores + lax.axis_index("c")
        base = wid * b_per_w
        pltpu.sync_copy(idx_hbm.at[pl.ds(base, b_per_w)], idx_v)
        pltpu.async_copy(table_hbm.at[idx_v], rows_v, sem).wait()
        pltpu.sync_copy(rows_v, out_hbm.at[pl.ds(base, b_per_w)])

    return gather_rows


def _st_loss_body(z_ref, zq_ref, st_ref, tot_ref, acc_ref):
    m = pl.program_id(0)

    @pl.when(m == 0)
    def _init():
        acc_ref[0] = 0.0

    diff = zq_ref[...] - z_ref[...]
    st_ref[...] = z_ref[...] + diff
    acc_ref[0] += jnp.sum(diff * diff)

    @pl.when(m == pl.num_programs(0) - 1)
    def _emit():
        tot_ref[0, 0] = acc_ref[0]


def _st_and_loss(z_flat, z_q):
    rows = z_flat.shape[0]
    bm = 4096
    grid = (rows // bm,)
    return pl.pallas_call(
        _st_loss_body,
        grid=grid,
        in_specs=[
            pl.BlockSpec((bm, _E_DIM), lambda m: (m, 0)),
            pl.BlockSpec((bm, _E_DIM), lambda m: (m, 0)),
        ],
        out_specs=[
            pl.BlockSpec((bm, _E_DIM), lambda m: (m, 0)),
            pl.BlockSpec((1, 1), lambda m: (0, 0), memory_space=pltpu.SMEM),
        ],
        out_shape=[
            jax.ShapeDtypeStruct((rows, _E_DIM), jnp.float32),
            jax.ShapeDtypeStruct((1, 1), jnp.float32),
        ],
        scratch_shapes=[pltpu.SMEM((1,), jnp.float32)],
        compiler_params=pltpu.CompilerParams(
            dimension_semantics=("arbitrary",),
        ),
    )(z_flat, z_q)


def kernel(z, W):
    z_flat = z.reshape(-1, _E_DIM)
    rs = jnp.sum(z ** 2, axis=-1).reshape(-1, 1)
    cs = jnp.sum(W ** 2, axis=1)[None, :]
    z2 = (2.0 * z_flat).astype(jnp.bfloat16)
    idx2d = _dist_argmin(z2, W, rs, cs)
    idx = idx2d.reshape(-1)
    z_q = _make_sc_gather(z_flat.shape[0], _E_DIM)(idx, W)
    st, total = _st_and_loss(z_flat, z_q)
    mse = total[0, 0] / z.size
    loss = (_BETA * mse, mse)
    return st.reshape(z.shape), loss, idx

# --- scband reference (transcript-rebuilt; emitter-appended) ---
"""Pipeline reference for scband-vector-quantizer-62405874811765 (READ-ONLY COPY).

The authoritative reference and input builder live on the scoring server;
editing this copy changes nothing except your own understanding.
"""

import jax, jax.numpy as jnp
import numpy as np

N_E = 8192
E_DIM = 256
BETA = 0.25


def setup_inputs(seed: int = 0) -> dict:
    key = jax.random.key(seed)
    k1, k2 = jax.random.split(key)
    z = jax.random.normal(k1, (8, 1024, 256), dtype=jnp.float32)
    # embedding table initialized uniform(-1/n_e, 1/n_e) as in the torch module
    W = jax.random.uniform(k2, (N_E, E_DIM), minval=-1.0 / N_E, maxval=1.0 / N_E, dtype=jnp.float32)
    return {"z": z, "W": W}


def reference(z, W):
    # eval-mode forward: reservoir/codebook update is skipped (not training)
    z_flattened = z.reshape(-1, E_DIM)
    # torch.cdist(z_flattened, W) with p=2
    d2 = (
        jnp.sum(z_flattened ** 2, axis=1, keepdims=True)
        + jnp.sum(W ** 2, axis=1)[None, :]
        - 2.0 * z_flattened @ W.T
    )
    z_dist = jnp.sqrt(jnp.maximum(d2, 0.0))
    min_encoding_indices = jnp.argmin(z_dist, axis=1)
    z_q = jnp.take(W, min_encoding_indices, axis=0).reshape(z.shape)
    loss = (
        BETA * jnp.mean((jax.lax.stop_gradient(z_q) - z) ** 2),
        jnp.mean((z_q - jax.lax.stop_gradient(z)) ** 2),
    )
    # straight-through estimator
    z_q_st = z + jax.lax.stop_gradient(z_q - z)
    return (z_q_st, loss, min_encoding_indices)

if __name__ == "__main__":
    import jax
    _d = setup_inputs()
    print(jax.jit(kernel)(*tuple(_d.values())))

</pallas_src>

<mosaic_0001>
#map = affine_map<(d0, d1) -> (0)>
#map1 = affine_map<(d0, d1) -> (0, 0)>
module attributes {stable_mosaic.version = 14 : i64} {
  func.func @gather_rows(%arg0: i32, %arg1: i32, %arg2: memref<8192xi32, #tpu.memory_space<hbm>>, %arg3: memref<8192x256xf32, #tpu.memory_space<hbm>>, %arg4: memref<8192x256xf32, #tpu.memory_space<hbm>>, %arg5: memref<256xi32, #tpu.memory_space<vmem>>, %arg6: memref<256x256xf32, #tpu.memory_space<vmem>>, %arg7: memref<!tpu.dma_semaphore, #tpu.memory_space<semaphore_mem>>) attributes {dimension_semantics = [#tpu.dimension_semantics<core_parallel>, #tpu.dimension_semantics<subcore_parallel>], iteration_bounds = array<i64: 2, 16>, scalar_prefetch = 0 : i64, scratch_operands = 3 : i64, tpu.core_type = #tpu.core_type<sc_vector_subcore>, window_params = [{transform_indices = #map}, {transform_indices = #map1}, {transform_indices = #map1}]} {
    %mul3A = arith.constant 2 : i32
    %mul3A_0 = arith.muli %arg1, %mul3A : i32
    %add3A = arith.addi %mul3A_0, %arg0 : i32
    %mul3A_1 = arith.constant 256 : i32
    %mul3A_2 = arith.muli %add3A, %mul3A_1 : i32
    "tpu.region"() ({
      %run_scoped3A = tpu.sem_alloc : memref<!tpu.dma_semaphore, #tpu.memory_space<semaphore_mem>>
      %dma_start3A_7 = tpu.memref_slice %arg2[%mul3A_2] : memref<8192xi32, #tpu.memory_space<hbm>> -> memref<256xi32, #tpu.memory_space<hbm>>
      %dma_start3A_8 = tpu.memref_slice %arg2[%mul3A_2] : memref<8192xi32, #tpu.memory_space<hbm>> -> memref<256xi32, #tpu.memory_space<hbm>>
      tpu.enqueue_dma source(%dma_start3A_8 : memref<256xi32, #tpu.memory_space<hbm>>) target(%arg5 : memref<256xi32, #tpu.memory_space<vmem>>) target_semaphore(%run_scoped3A : memref<!tpu.dma_semaphore, #tpu.memory_space<semaphore_mem>>)
      %dma_wait3A_9 = tpu.memref_slice %arg2[%mul3A_2] : memref<8192xi32, #tpu.memory_space<hbm>> -> memref<256xi32, #tpu.memory_space<hbm>>
      %dma_wait3A_10 = tpu.memref_slice %arg2[%mul3A_2] : memref<8192xi32, #tpu.memory_space<hbm>> -> memref<256xi32, #tpu.memory_space<hbm>>
      tpu.wait_dma2 semaphore(%run_scoped3A : memref<!tpu.dma_semaphore, #tpu.memory_space<semaphore_mem>>) src(%dma_wait3A_10 : memref<256xi32, #tpu.memory_space<hbm>>) dst(%arg5 : memref<256xi32, #tpu.memory_space<vmem>>)
      tpu.yield
    }) : () -> ()
    %dma_start3A = arith.constant 0 : i32
    %dma_start3A_3 = arith.constant 0 : i32
    %dma_start3A_4 = tpu.memref_slice %arg3[%dma_start3A, %dma_start3A_3] : memref<8192x256xf32, #tpu.memory_space<hbm>> -> memref<8192x256xf32, #tpu.memory_space<hbm>>
    tpu.enqueue_indirect_dma source(%dma_start3A_4 : memref<8192x256xf32, #tpu.memory_space<hbm>>) target(%arg6 : memref<256x256xf32, #tpu.memory_space<vmem>>) offsets(%arg5 : memref<256xi32, #tpu.memory_space<vmem>>) semaphore(%arg7 : memref<!tpu.dma_semaphore, #tpu.memory_space<semaphore_mem>>)
    %dma_wait3A = arith.constant 0 : i32
    %dma_wait3A_5 = arith.constant 0 : i32
    %dma_wait3A_6 = tpu.memref_slice %arg3[%dma_wait3A, %dma_wait3A_5] : memref<8192x256xf32, #tpu.memory_space<hbm>> -> memref<8192x256xf32, #tpu.memory_space<hbm>>
    tpu.wait_indirect_dma semaphore(%arg7 : memref<!tpu.dma_semaphore, #tpu.memory_space<semaphore_mem>>) src(%dma_wait3A_6 : memref<8192x256xf32, #tpu.memory_space<hbm>>) dst(%arg6 : memref<256x256xf32, #tpu.memory_space<vmem>>)
    "tpu.region"() ({
      %run_scoped3A = tpu.sem_alloc : memref<!tpu.dma_semaphore, #tpu.memory_space<semaphore_mem>>
      %dma_start3A_7 = arith.constant 0 : i32
      %dma_start3A_8 = tpu.memref_slice %arg4[%mul3A_2, %dma_start3A_7] : memref<8192x256xf32, #tpu.memory_space<hbm>> -> memref<256x256xf32, #tpu.memory_space<hbm>>
      %dma_start3A_9 = arith.constant 0 : i32
      %dma_start3A_10 = tpu.memref_slice %arg4[%mul3A_2, %dma_start3A_9] : memref<8192x256xf32, #tpu.memory_space<hbm>> -> memref<256x256xf32, #tpu.memory_space<hbm>>
      tpu.enqueue_dma source(%arg6 : memref<256x256xf32, #tpu.memory_space<vmem>>) target(%dma_start3A_10 : memref<256x256xf32, #tpu.memory_space<hbm>>) target_semaphore(%run_scoped3A : memref<!tpu.dma_semaphore, #tpu.memory_space<semaphore_mem>>)
      %dma_wait3A_11 = arith.constant 0 : i32
      %dma_wait3A_12 = tpu.memref_slice %arg4[%mul3A_2, %dma_wait3A_11] : memref<8192x256xf32, #tpu.memory_space<hbm>> -> memref<256x256xf32, #tpu.memory_space<hbm>>
      %dma_wait3A_13 = arith.constant 0 : i32
      %dma_wait3A_14 = tpu.memref_slice %arg4[%mul3A_2, %dma_wait3A_13] : memref<8192x256xf32, #tpu.memory_space<hbm>> -> memref<256x256xf32, #tpu.memory_space<hbm>>
      tpu.wait_dma2 semaphore(%run_scoped3A : memref<!tpu.dma_semaphore, #tpu.memory_space<semaphore_mem>>) src(%arg6 : memref<256x256xf32, #tpu.memory_space<vmem>>) dst(%dma_wait3A_14 : memref<256x256xf32, #tpu.memory_space<hbm>>)
      tpu.yield
    }) : () -> ()
    return
  }
}

module attributes {stable_mosaic.version = 14 : i64} {
  func.func @_dist_argmin_body(%arg0: i32, %arg1: i32, %arg2: memref<4096x256xbf16, #tpu.memory_space<vmem>>, %arg3: memref<2048x256xf32, #tpu.memory_space<vmem>>, %arg4: memref<4096x1xf32, #tpu.memory_space<vmem>>, %arg5: memref<1x2048xf32, #tpu.memory_space<vmem>>, %arg6: memref<4096x1xi32, #tpu.memory_space<vmem>>, %arg7: memref<8192x1xf32, #tpu.memory_space<vmem>>, %arg8: memref<8192x1xi32, #tpu.memory_space<vmem>>) attributes {dimension_semantics = [#tpu.dimension_semantics<arbitrary>, #tpu.dimension_semantics<arbitrary>], iteration_bounds = array<i64: 4, 2>, scalar_prefetch = 0 : i64, scratch_operands = 2 : i64, tpu.core_type = #tpu.core_type<tc>, window_params = [{transform_indices = @transform_0, window_bounds = array<i64: 4096, 256>}, {transform_indices = @transform_1, window_bounds = array<i64: 2048, 256>}, {transform_indices = @transform_2, window_bounds = array<i64: 4096, 1>}, {transform_indices = @transform_3, window_bounds = array<i64: 1, 2048>}, {transform_indices = @transform_4, window_bounds = array<i64: 4096, 1>}]} {
    %mul3A = arith.constant 4096 : i32
    %mul3A_0 = arith.muli %arg1, %mul3A : i32
    %eq3A = arith.constant 0 : i32
    %eq3A_1 = arith.cmpi eq, %arg0, %eq3A : i32
    %convert_element_type3A = arith.extui %eq3A_1 : i1 to i32
    %cond3A = arith.constant 0 : i32
    %cond3A_2 = arith.cmpi ne, %convert_element_type3A, %cond3A : i32
    scf.if %cond3A_2 {
      %broadcast_in_dim3A_326 = arith.constant 0x7F800000 : f32
      %broadcast_in_dim3A_327 = vector.broadcast %broadcast_in_dim3A_326 : f32 to vector<4096x1xf32>
      %swap3A_328 = arith.index_cast %mul3A_0 : i32 to index
      %swap3A_329 = arith.constant 0 : index
      %swap3A_330 = vector.load %arg7[%swap3A_328, %swap3A_329] : memref<8192x1xf32, #tpu.memory_space<vmem>>, vector<4096x1xf32>
      tpu.vector_store %arg7[%swap3A_328, %swap3A_329], %broadcast_in_dim3A_327 {strides = array<i32>} : memref<8192x1xf32, #tpu.memory_space<vmem>>, vector<4096x1xf32>,
      %broadcast_in_dim3A_331 = arith.constant 0 : i32
      %broadcast_in_dim3A_332 = vector.broadcast %broadcast_in_dim3A_331 : i32 to vector<4096x1xi32>
      %swap3A_333 = arith.index_cast %mul3A_0 : i32 to index
      %swap3A_334 = arith.constant 0 : index
      %swap3A_335 = vector.load %arg8[%swap3A_333, %swap3A_334] : memref<8192x1xi32, #tpu.memory_space<vmem>>, vector<4096x1xi32>
      tpu.vector_store %arg8[%swap3A_333, %swap3A_334], %broadcast_in_dim3A_332 {strides = array<i32>} : memref<8192x1xi32, #tpu.memory_space<vmem>>, vector<4096x1xi32>,
    } else {
    }
    %get3A = arith.constant 0 : index
    %get3A_3 = arith.constant 0 : index
    %get3A_4 = vector.load %arg2[%get3A, %get3A_3] : memref<4096x256xbf16, #tpu.memory_space<vmem>>, vector<4096x256xbf16>
    %get3A_5 = arith.constant 0 : index
    %get3A_6 = arith.constant 0 : index
    %get3A_7 = vector.load %arg3[%get3A_5, %get3A_6] : memref<2048x256xf32, #tpu.memory_space<vmem>>, vector<2048x256xf32>
    %dot_general3A = arith.constant dense<0.000000e+00> : vector<4096x2048xf32>
    %dot_general3A_8 = tpu.matmul %get3A_4, %get3A_7, %dot_general3A {dimension_numbers = #tpu.dot_dimension_numbers<[1], [1], [0], [0], [0, 0, 1, 0], [], []>, transpose_lhs_hint = false} : vector<4096x256xbf16>, vector<2048x256xf32>, vector<4096x2048xf32> -> vector<4096x2048xf32>
    %get3A_9 = arith.constant 0 : index
    %get3A_10 = arith.constant 0 : index
    %get3A_11 = vector.load %arg4[%get3A_9, %get3A_10] : memref<4096x1xf32, #tpu.memory_space<vmem>>, vector<4096x1xf32>
    %get3A_12 = arith.constant 0 : index
    %get3A_13 = arith.constant 0 : index
    %get3A_14 = vector.load %arg5[%get3A_12, %get3A_13] : memref<1x2048xf32, #tpu.memory_space<vmem>>, vector<1x128xf32>
    %add3A = vector.broadcast %get3A_11 : vector<4096x1xf32> to vector<4096x128xf32>
    %add3A_15 = vector.broadcast %get3A_14 : vector<1x128xf32> to vector<4096x128xf32>
    %add3A_16 = arith.addf %add3A, %add3A_15 : vector<4096x128xf32>
    %slice3A = vector.extract_strided_slice %dot_general3A_8 {offsets = [0, 0], sizes = [4096, 128], strides = [1, 1]} : vector<4096x2048xf32> to vector<4096x128xf32>
    %sub3A = arith.subf %add3A_16, %slice3A : vector<4096x128xf32>
    %max3A = arith.constant 0.000000e+00 : f32
    %max3A_17 = vector.broadcast %max3A : f32 to vector<4096x128xf32>
    %max3A_18 = arith.maximumf %sub3A, %max3A_17 : vector<4096x128xf32>
    %rsqrt3A = math.rsqrt %max3A_18 : vector<4096x128xf32>
    %mul3A_19 = arith.mulf %max3A_18, %rsqrt3A : vector<4096x128xf32>
    %broadcast_in_dim3A = arith.constant 0.000000e+00 : f32
    %broadcast_in_dim3A_20 = vector.broadcast %broadcast_in_dim3A : f32 to vector<4096x128xf32>
    %get3A_21 = arith.constant 0 : index
    %get3A_22 = arith.constant 128 : index
    %get3A_23 = vector.load %arg5[%get3A_21, %get3A_22] : memref<1x2048xf32, #tpu.memory_space<vmem>>, vector<1x128xf32>
    %add3A_24 = vector.broadcast %get3A_11 : vector<4096x1xf32> to vector<4096x128xf32>
    %add3A_25 = vector.broadcast %get3A_23 : vector<1x128xf32> to vector<4096x128xf32>
    %add3A_26 = arith.addf %add3A_24, %add3A_25 : vector<4096x128xf32>
    %slice3A_27 = vector.extract_strided_slice %dot_general3A_8 {offsets = [0, 128], sizes = [4096, 128], strides = [1, 1]} : vector<4096x2048xf32> to vector<4096x128xf32>
    %sub3A_28 = arith.subf %add3A_26, %slice3A_27 : vector<4096x128xf32>
    %max3A_29 = arith.constant 0.000000e+00 : f32
    %max3A_30 = vector.broadcast %max3A_29 : f32 to vector<4096x128xf32>
    %max3A_31 = arith.maximumf %sub3A_28, %max3A_30 : vector<4096x128xf32>
    %rsqrt3A_32 = math.rsqrt %max3A_31 : vector<4096x128xf32>
    %mul3A_33 = arith.mulf %max3A_31, %rsqrt3A_32 : vector<4096x128xf32>
    %lt3A = arith.cmpf olt, %mul3A_33, %mul3A_19 : vector<4096x128xf32>
    %select_n3A = arith.select %lt3A, %mul3A_33, %mul3A_19 : vector<4096x128xi1>, vector<4096x128xf32>
    %jit3A = arith.constant 1.280000e+02 : f32
    %broadcast_in_dim3A_34 = vector.broadcast %jit3A : f32 to vector<4096x128xf32>
    %select_n3A_35 = arith.select %lt3A, %broadcast_in_dim3A_34, %broadcast_in_dim3A_20 : vector<4096x128xi1>, vector<4096x128xf32>
    %get3A_36 = arith.constant 0 : index
    %get3A_37 = arith.constant 256 : index
    %get3A_38 = vector.load %arg5[%get3A_36, %get3A_37] : memref<1x2048xf32, #tpu.memory_space<vmem>>, vector<1x128xf32>
    %add3A_39 = vector.broadcast %get3A_11 : vector<4096x1xf32> to vector<4096x128xf32>
    %add3A_40 = vector.broadcast %get3A_38 : vector<1x128xf32> to vector<4096x128xf32>
    %add3A_41 = arith.addf %add3A_39, %add3A_40 : vector<4096x128xf32>
    %slice3A_42 = vector.extract_strided_slice %dot_general3A_8 {offsets = [0, 256], sizes = [4096, 128], strides = [1, 1]} : vector<4096x2048xf32> to vector<4096x128xf32>
    %sub3A_43 = arith.subf %add3A_41, %slice3A_42 : vector<4096x128xf32>
    %max3A_44 = arith.constant 0.000000e+00 : f32
    %max3A_45 = vector.broadcast %max3A_44 : f32 to vector<4096x128xf32>
    %max3A_46 = arith.maximumf %sub3A_43, %max3A_45 : vector<4096x128xf32>
    %rsqrt3A_47 = math.rsqrt %max3A_46 : vector<4096x128xf32>
    %mul3A_48 = arith.mulf %max3A_46, %rsqrt3A_47 : vector<4096x128xf32>
    %lt3A_49 = arith.cmpf olt, %mul3A_48, %select_n3A : vector<4096x128xf32>
    %select_n3A_50 = arith.select %lt3A_49, %mul3A_48, %select_n3A : vector<4096x128xi1>, vector<4096x128xf32>
    %jit3A_51 = arith.constant 2.560000e+02 : f32
    %broadcast_in_dim3A_52 = vector.broadcast %jit3A_51 : f32 to vector<4096x128xf32>
    %select_n3A_53 = arith.select %lt3A_49, %broadcast_in_dim3A_52, %select_n3A_35 : vector<4096x128xi1>, vector<4096x128xf32>
    %get3A_54 = arith.constant 0 : index
    %get3A_55 = arith.constant 384 : index
    %get3A_56 = vector.load %arg5[%get3A_54, %get3A_55] : memref<1x2048xf32, #tpu.memory_space<vmem>>, vector<1x128xf32>
    %add3A_57 = vector.broadcast %get3A_11 : vector<4096x1xf32> to vector<4096x128xf32>
    %add3A_58 = vector.broadcast %get3A_56 : vector<1x128xf32> to vector<4096x128xf32>
    %add3A_59 = arith.addf %add3A_57, %add3A_58 : vector<4096x128xf32>
    %slice3A_60 = vector.extract_strided_slice %dot_general3A_8 {offsets = [0, 384], sizes = [4096, 128], strides = [1, 1]} : vector<4096x2048xf32> to vector<4096x128xf32>
    %sub3A_61 = arith.subf %add3A_59, %slice3A_60 : vector<4096x128xf32>
    %max3A_62 = arith.constant 0.000000e+00 : f32
    %max3A_63 = vector.broadcast %max3A_62 : f32 to vector<4096x128xf32>
    %max3A_64 = arith.maximumf %sub3A_61, %max3A_63 : vector<4096x128xf32>
    %rsqrt3A_65 = math.rsqrt %max3A_64 : vector<4096x128xf32>
    %mul3A_66 = arith.mulf %max3A_64, %rsqrt3A_65 : vector<4096x128xf32>
    %lt3A_67 = arith.cmpf olt, %mul3A_66, %select_n3A_50 : vector<4096x128xf32>
    %select_n3A_68 = arith.select %lt3A_67, %mul3A_66, %select_n3A_50 : vector<4096x128xi1>, vector<4096x128xf32>
    %jit3A_69 = arith.constant 3.840000e+02 : f32
    %broadcast_in_dim3A_70 = vector.broadcast %jit3A_69 : f32 to vector<4096x128xf32>
    %select_n3A_71 = arith.select %lt3A_67, %broadcast_in_dim3A_70, %select_n3A_53 : vector<4096x128xi1>, vector<4096x128xf32>
    %get3A_72 = arith.constant 0 : index
    %get3A_73 = arith.constant 512 : index
    %get3A_74 = vector.load %arg5[%get3A_72, %get3A_73] : memref<1x2048xf32, #tpu.memory_space<vmem>>, vector<1x128xf32>
    %add3A_75 = vector.broadcast %get3A_11 : vector<4096x1xf32> to vector<4096x128xf32>
    %add3A_76 = vector.broadcast %get3A_74 : vector<1x128xf32> to vector<4096x128xf32>
    %add3A_77 = arith.addf %add3A_75, %add3A_76 : vector<4096x128xf32>
    %slice3A_78 = vector.extract_strided_slice %dot_general3A_8 {offsets = [0, 512], sizes = [4096, 128], strides = [1, 1]} : vector<4096x2048xf32> to vector<4096x128xf32>
    %sub3A_79 = arith.subf %add3A_77, %slice3A_78 : vector<4096x128xf32>
    %max3A_80 = arith.constant 0.000000e+00 : f32
    %max3A_81 = vector.broadcast %max3A_80 : f32 to vector<4096x128xf32>
    %max3A_82 = arith.maximumf %sub3A_79, %max3A_81 : vector<4096x128xf32>
    %rsqrt3A_83 = math.rsqrt %max3A_82 : vector<4096x128xf32>
    %mul3A_84 = arith.mulf %max3A_82, %rsqrt3A_83 : vector<4096x128xf32>
    %lt3A_85 = arith.cmpf olt, %mul3A_84, %select_n3A_68 : vector<4096x128xf32>
    %select_n3A_86 = arith.select %lt3A_85, %mul3A_84, %select_n3A_68 : vector<4096x128xi1>, vector<4096x128xf32>
    %jit3A_87 = arith.constant 5.120000e+02 : f32
    %broadcast_in_dim3A_88 = vector.broadcast %jit3A_87 : f32 to vector<4096x128xf32>
    %select_n3A_89 = arith.select %lt3A_85, %broadcast_in_dim3A_88, %select_n3A_71 : vector<4096x128xi1>, vector<4096x128xf32>
    %get3A_90 = arith.constant 0 : index
    %get3A_91 = arith.constant 640 : index
    %get3A_92 = vector.load %arg5[%get3A_90, %get3A_91] : memref<1x2048xf32, #tpu.memory_space<vmem>>, vector<1x128xf32>
    %add3A_93 = vector.broadcast %get3A_11 : vector<4096x1xf32> to vector<4096x128xf32>
    %add3A_94 = vector.broadcast %get3A_92 : vector<1x128xf32> to vector<4096x128xf32>
    %add3A_95 = arith.addf %add3A_93, %add3A_94 : vector<4096x128xf32>
    %slice3A_96 = vector.extract_strided_slice %dot_general3A_8 {offsets = [0, 640], sizes = [4096, 128], strides = [1, 1]} : vector<4096x2048xf32> to vector<4096x128xf32>
    %sub3A_97 = arith.subf %add3A_95, %slice3A_96 : vector<4096x128xf32>
    %max3A_98 = arith.constant 0.000000e+00 : f32
    %max3A_99 = vector.broadcast %max3A_98 : f32 to vector<4096x128xf32>
    %max3A_100 = arith.maximumf %sub3A_97, %max3A_99 : vector<4096x128xf32>
    %rsqrt3A_101 = math.rsqrt %max3A_100 : vector<4096x128xf32>
    %mul3A_102 = arith.mulf %max3A_100, %rsqrt3A_101 : vector<4096x128xf32>
    %lt3A_103 = arith.cmpf olt, %mul3A_102, %select_n3A_86 : vector<4096x128xf32>
    %select_n3A_104 = arith.select %lt3A_103, %mul3A_102, %select_n3A_86 : vector<4096x128xi1>, vector<4096x128xf32>
    %jit3A_105 = arith.constant 6.400000e+02 : f32
    %broadcast_in_dim3A_106 = vector.broadcast %jit3A_105 : f32 to vector<4096x128xf32>
    %select_n3A_107 = arith.select %lt3A_103, %broadcast_in_dim3A_106, %select_n3A_89 : vector<4096x128xi1>, vector<4096x128xf32>
    %get3A_108 = arith.constant 0 : index
    %get3A_109 = arith.constant 768 : index
    %get3A_110 = vector.load %arg5[%get3A_108, %get3A_109] : memref<1x2048xf32, #tpu.memory_space<vmem>>, vector<1x128xf32>
    %add3A_111 = vector.broadcast %get3A_11 : vector<4096x1xf32> to vector<4096x128xf32>
    %add3A_112 = vector.broadcast %get3A_110 : vector<1x128xf32> to vector<4096x128xf32>
    %add3A_113 = arith.addf %add3A_111, %add3A_112 : vector<4096x128xf32>
    %slice3A_114 = vector.extract_strided_slice %dot_general3A_8 {offsets = [0, 768], sizes = [4096, 128], strides = [1, 1]} : vector<4096x2048xf32> to vector<4096x128xf32>
    %sub3A_115 = arith.subf %add3A_113, %slice3A_114 : vector<4096x128xf32>
    %max3A_116 = arith.constant 0.000000e+00 : f32
    %max3A_117 = vector.broadcast %max3A_116 : f32 to vector<4096x128xf32>
    %max3A_118 = arith.maximumf %sub3A_115, %max3A_117 : vector<4096x128xf32>
    %rsqrt3A_119 = math.rsqrt %max3A_118 : vector<4096x128xf32>
    %mul3A_120 = arith.mulf %max3A_118, %rsqrt3A_119 : vector<4096x128xf32>
    %lt3A_121 = arith.cmpf olt, %mul3A_120, %select_n3A_104 : vector<4096x128xf32>
    %select_n3A_122 = arith.select %lt3A_121, %mul3A_120, %select_n3A_104 : vector<4096x128xi1>, vector<4096x128xf32>
    %jit3A_123 = arith.constant 7.680000e+02 : f32
    %broadcast_in_dim3A_124 = vector.broadcast %jit3A_123 : f32 to vector<4096x128xf32>
    %select_n3A_125 = arith.select %lt3A_121, %broadcast_in_dim3A_124, %select_n3A_107 : vector<4096x128xi1>, vector<4096x128xf32>
    %get3A_126 = arith.constant 0 : index
    %get3A_127 = arith.constant 896 : index
    %get3A_128 = vector.load %arg5[%get3A_126, %get3A_127] : memref<1x2048xf32, #tpu.memory_space<vmem>>, vector<1x128xf32>
    %add3A_129 = vector.broadcast %get3A_11 : vector<4096x1xf32> to vector<4096x128xf32>
    %add3A_130 = vector.broadcast %get3A_128 : vector<1x128xf32> to vector<4096x128xf32>
    %add3A_131 = arith.addf %add3A_129, %add3A_130 : vector<4096x128xf32>
    %slice3A_132 = vector.extract_strided_slice %dot_general3A_8 {offsets = [0, 896], sizes = [4096, 128], strides = [1, 1]} : vector<4096x2048xf32> to vector<4096x128xf32>
    %sub3A_133 = arith.subf %add3A_131, %slice3A_132 : vector<4096x128xf32>
    %max3A_134 = arith.constant 0.000000e+00 : f32
    %max3A_135 = vector.broadcast %max3A_134 : f32 to vector<4096x128xf32>
    %max3A_136 = arith.maximumf %sub3A_133, %max3A_135 : vector<4096x128xf32>
    %rsqrt3A_137 = math.rsqrt %max3A_136 : vector<4096x128xf32>
    %mul3A_138 = arith.mulf %max3A_136, %rsqrt3A_137 : vector<4096x128xf32>
    %lt3A_139 = arith.cmpf olt, %mul3A_138, %select_n3A_122 : vector<4096x128xf32>
    %select_n3A_140 = arith.select %lt3A_139, %mul3A_138, %select_n3A_122 : vector<4096x128xi1>, vector<4096x128xf32>
    %jit3A_141 = arith.constant 8.960000e+02 : f32
    %broadcast_in_dim3A_142 = vector.broadcast %jit3A_141 : f32 to vector<4096x128xf32>
    %select_n3A_143 = arith.select %lt3A_139, %broadcast_in_dim3A_142, %select_n3A_125 : vector<4096x128xi1>, vector<4096x128xf32>
    %get3A_144 = arith.constant 0 : index
    %get3A_145 = arith.constant 1024 : index
    %get3A_146 = vector.load %arg5[%get3A_144, %get3A_145] : memref<1x2048xf32, #tpu.memory_space<vmem>>, vector<1x128xf32>
    %add3A_147 = vector.broadcast %get3A_11 : vector<4096x1xf32> to vector<4096x128xf32>
    %add3A_148 = vector.broadcast %get3A_146 : vector<1x128xf32> to vector<4096x128xf32>
    %add3A_149 = arith.addf %add3A_147, %add3A_148 : vector<4096x128xf32>
    %slice3A_150 = vector.extract_strided_slice %dot_general3A_8 {offsets = [0, 1024], sizes = [4096, 128], strides = [1, 1]} : vector<4096x2048xf32> to vector<4096x128xf32>
    %sub3A_151 = arith.subf %add3A_149, %slice3A_150 : vector<4096x128xf32>
    %max3A_152 = arith.constant 0.000000e+00 : f32
    %max3A_153 = vector.broadcast %max3A_152 : f32 to vector<4096x128xf32>
    %max3A_154 = arith.maximumf %sub3A_151, %max3A_153 : vector<4096x128xf32>
    %rsqrt3A_155 = math.rsqrt %max3A_154 : vector<4096x128xf32>
    %mul3A_156 = arith.mulf %max3A_154, %rsqrt3A_155 : vector<4096x128xf32>
    %lt3A_157 = arith.cmpf olt, %mul3A_156, %select_n3A_140 : vector<4096x128xf32>
    %select_n3A_158 = arith.select %lt3A_157, %mul3A_156, %select_n3A_140 : vector<4096x128xi1>, vector<4096x128xf32>
    %jit3A_159 = arith.constant 1.024000e+03 : f32
    %broadcast_in_dim3A_160 = vector.broadcast %jit3A_159 : f32 to vector<4096x128xf32>
    %select_n3A_161 = arith.select %lt3A_157, %broadcast_in_dim3A_160, %select_n3A_143 : vector<4096x128xi1>, vector<4096x128xf32>
    %get3A_162 = arith.constant 0 : index
    %get3A_163 = arith.constant 1152 : index
    %get3A_164 = vector.load %arg5[%get3A_162, %get3A_163] : memref<1x2048xf32, #tpu.memory_space<vmem>>, vector<1x128xf32>
    %add3A_165 = vector.broadcast %get3A_11 : vector<4096x1xf32> to vector<4096x128xf32>
    %add3A_166 = vector.broadcast %get3A_164 : vector<1x128xf32> to vector<4096x128xf32>
    %add3A_167 = arith.addf %add3A_165, %add3A_166 : vector<4096x128xf32>
    %slice3A_168 = vector.extract_strided_slice %dot_general3A_8 {offsets = [0, 1152], sizes = [4096, 128], strides = [1, 1]} : vector<4096x2048xf32> to vector<4096x128xf32>
    %sub3A_169 = arith.subf %add3A_167, %slice3A_168 : vector<4096x128xf32>
    %max3A_170 = arith.constant 0.000000e+00 : f32
    %max3A_171 = vector.broadcast %max3A_170 : f32 to vector<4096x128xf32>
    %max3A_172 = arith.maximumf %sub3A_169, %max3A_171 : vector<4096x128xf32>
    %rsqrt3A_173 = math.rsqrt %max3A_172 : vector<4096x128xf32>
    %mul3A_174 = arith.mulf %max3A_172, %rsqrt3A_173 : vector<4096x128xf32>
    %lt3A_175 = arith.cmpf olt, %mul3A_174, %select_n3A_158 : vector<4096x128xf32>
    %select_n3A_176 = arith.select %lt3A_175, %mul3A_174, %select_n3A_158 : vector<4096x128xi1>, vector<4096x128xf32>
    %jit3A_177 = arith.constant 1.152000e+03 : f32
    %broadcast_in_dim3A_178 = vector.broadcast %jit3A_177 : f32 to vector<4096x128xf32>
    %select_n3A_179 = arith.select %lt3A_175, %broadcast_in_dim3A_178, %select_n3A_161 : vector<4096x128xi1>, vector<4096x128xf32>
    %get3A_180 = arith.constant 0 : index
    %get3A_181 = arith.constant 1280 : index
    %get3A_182 = vector.load %arg5[%get3A_180, %get3A_181] : memref<1x2048xf32, #tpu.memory_space<vmem>>, vector<1x128xf32>
    %add3A_183 = vector.broadcast %get3A_11 : vector<4096x1xf32> to vector<4096x128xf32>
    %add3A_184 = vector.broadcast %get3A_182 : vector<1x128xf32> to vector<4096x128xf32>
    %add3A_185 = arith.addf %add3A_183, %add3A_184 : vector<4096x128xf32>
    %slice3A_186 = vector.extract_strided_slice %dot_general3A_8 {offsets = [0, 1280], sizes = [4096, 128], strides = [1, 1]} : vector<4096x2048xf32> to vector<4096x128xf32>
    %sub3A_187 = arith.subf %add3A_185, %slice3A_186 : vector<4096x128xf32>
    %max3A_188 = arith.constant 0.000000e+00 : f32
    %max3A_189 = vector.broadcast %max3A_188 : f32 to vector<4096x128xf32>
    %max3A_190 = arith.maximumf %sub3A_187, %max3A_189 : vector<4096x128xf32>
    %rsqrt3A_191 = math.rsqrt %max3A_190 : vector<4096x128xf32>
    %mul3A_192 = arith.mulf %max3A_190, %rsqrt3A_191 : vector<4096x128xf32>
    %lt3A_193 = arith.cmpf olt, %mul3A_192, %select_n3A_176 : vector<4096x128xf32>
    %select_n3A_194 = arith.select %lt3A_193, %mul3A_192, %select_n3A_176 : vector<4096x128xi1>, vector<4096x128xf32>
    %jit3A_195 = arith.constant 1.280000e+03 : f32
    %broadcast_in_dim3A_196 = vector.broadcast %jit3A_195 : f32 to vector<4096x128xf32>
    %select_n3A_197 = arith.select %lt3A_193, %broadcast_in_dim3A_196, %select_n3A_179 : vector<4096x128xi1>, vector<4096x128xf32>
    %get3A_198 = arith.constant 0 : index
    %get3A_199 = arith.constant 1408 : index
    %get3A_200 = vector.load %arg5[%get3A_198, %get3A_199] : memref<1x2048xf32, #tpu.memory_space<vmem>>, vector<1x128xf32>
    %add3A_201 = vector.broadcast %get3A_11 : vector<4096x1xf32> to vector<4096x128xf32>
    %add3A_202 = vector.broadcast %get3A_200 : vector<1x128xf32> to vector<4096x128xf32>
    %add3A_203 = arith.addf %add3A_201, %add3A_202 : vector<4096x128xf32>
    %slice3A_204 = vector.extract_strided_slice %dot_general3A_8 {offsets = [0, 1408], sizes = [4096, 128], strides = [1, 1]} : vector<4096x2048xf32> to vector<4096x128xf32>
    %sub3A_205 = arith.subf %add3A_203, %slice3A_204 : vector<4096x128xf32>
    %max3A_206 = arith.constant 0.000000e+00 : f32
    %max3A_207 = vector.broadcast %max3A_206 : f32 to vector<4096x128xf32>
    %max3A_208 = arith.maximumf %sub3A_205, %max3A_207 : vector<4096x128xf32>
    %rsqrt3A_209 = math.rsqrt %max3A_208 : vector<4096x128xf32>
    %mul3A_210 = arith.mulf %max3A_208, %rsqrt3A_209 : vector<4096x128xf32>
    %lt3A_211 = arith.cmpf olt, %mul3A_210, %select_n3A_194 : vector<4096x128xf32>
    %select_n3A_212 = arith.select %lt3A_211, %mul3A_210, %select_n3A_194 : vector<4096x128xi1>, vector<4096x128xf32>
    %jit3A_213 = arith.constant 1.408000e+03 : f32
    %broadcast_in_dim3A_214 = vector.broadcast %jit3A_213 : f32 to vector<4096x128xf32>
    %select_n3A_215 = arith.select %lt3A_211, %broadcast_in_dim3A_214, %select_n3A_197 : vector<4096x128xi1>, vector<4096x128xf32>
    %get3A_216 = arith.constant 0 : index
    %get3A_217 = arith.constant 1536 : index
    %get3A_218 = vector.load %arg5[%get3A_216, %get3A_217] : memref<1x2048xf32, #tpu.memory_space<vmem>>, vector<1x128xf32>
    %add3A_219 = vector.broadcast %get3A_11 : vector<4096x1xf32> to vector<4096x128xf32>
    %add3A_220 = vector.broadcast %get3A_218 : vector<1x128xf32> to vector<4096x128xf32>
    %add3A_221 = arith.addf %add3A_219, %add3A_220 : vector<4096x128xf32>
    %slice3A_222 = vector.extract_strided_slice %dot_general3A_8 {offsets = [0, 1536], sizes = [4096, 128], strides = [1, 1]} : vector<4096x2048xf32> to vector<4096x128xf32>
    %sub3A_223 = arith.subf %add3A_221, %slice3A_222 : vector<4096x128xf32>
    %max3A_224 = arith.constant 0.000000e+00 : f32
    %max3A_225 = vector.broadcast %max3A_224 : f32 to vector<4096x128xf32>
    %max3A_226 = arith.maximumf %sub3A_223, %max3A_225 : vector<4096x128xf32>
    %rsqrt3A_227 = math.rsqrt %max3A_226 : vector<4096x128xf32>
    %mul3A_228 = arith.mulf %max3A_226, %rsqrt3A_227 : vector<4096x128xf32>
    %lt3A_229 = arith.cmpf olt, %mul3A_228, %select_n3A_212 : vector<4096x128xf32>
    %select_n3A_230 = arith.select %lt3A_229, %mul3A_228, %select_n3A_212 : vector<4096x128xi1>, vector<4096x128xf32>
    %jit3A_231 = arith.constant 1.536000e+03 : f32
    %broadcast_in_dim3A_232 = vector.broadcast %jit3A_231 : f32 to vector<4096x128xf32>
    %select_n3A_233 = arith.select %lt3A_229, %broadcast_in_dim3A_232, %select_n3A_215 : vector<4096x128xi1>, vector<4096x128xf32>
    %get3A_234 = arith.constant 0 : index
    %get3A_235 = arith.constant 1664 : index
    %get3A_236 = vector.load %arg5[%get3A_234, %get3A_235] : memref<1x2048xf32, #tpu.memory_space<vmem>>, vector<1x128xf32>
    %add3A_237 = vector.broadcast %get3A_11 : vector<4096x1xf32> to vector<4096x128xf32>
    %add3A_238 = vector.broadcast %get3A_236 : vector<1x128xf32> to vector<4096x128xf32>
    %add3A_239 = arith.addf %add3A_237, %add3A_238 : vector<4096x128xf32>
    %slice3A_240 = vector.extract_strided_slice %dot_general3A_8 {offsets = [0, 1664], sizes = [4096, 128], strides = [1, 1]} : vector<4096x2048xf32> to vector<4096x128xf32>
    %sub3A_241 = arith.subf %add3A_239, %slice3A_240 : vector<4096x128xf32>
    %max3A_242 = arith.constant 0.000000e+00 : f32
    %max3A_243 = vector.broadcast %max3A_242 : f32 to vector<4096x128xf32>
    %max3A_244 = arith.maximumf %sub3A_241, %max3A_243 : vector<4096x128xf32>
    %rsqrt3A_245 = math.rsqrt %max3A_244 : vector<4096x128xf32>
    %mul3A_246 = arith.mulf %max3A_244, %rsqrt3A_245 : vector<4096x128xf32>
    %lt3A_247 = arith.cmpf olt, %mul3A_246, %select_n3A_230 : vector<4096x128xf32>
    %select_n3A_248 = arith.select %lt3A_247, %mul3A_246, %select_n3A_230 : vector<4096x128xi1>, vector<4096x128xf32>
    %jit3A_249 = arith.constant 1.664000e+03 : f32
    %broadcast_in_dim3A_250 = vector.broadcast %jit3A_249 : f32 to vector<4096x128xf32>
    %select_n3A_251 = arith.select %lt3A_247, %broadcast_in_dim3A_250, %select_n3A_233 : vector<4096x128xi1>, vector<4096x128xf32>
    %get3A_252 = arith.constant 0 : index
    %get3A_253 = arith.constant 1792 : index
    %get3A_254 = vector.load %arg5[%get3A_252, %get3A_253] : memref<1x2048xf32, #tpu.memory_space<vmem>>, vector<1x128xf32>
    %add3A_255 = vector.broadcast %get3A_11 : vector<4096x1xf32> to vector<4096x128xf32>
    %add3A_256 = vector.broadcast %get3A_254 : vector<1x128xf32> to vector<4096x128xf32>
    %add3A_257 = arith.addf %add3A_255, %add3A_256 : vector<4096x128xf32>
    %slice3A_258 = vector.extract_strided_slice %dot_general3A_8 {offsets = [0, 1792], sizes = [4096, 128], strides = [1, 1]} : vector<4096x2048xf32> to vector<4096x128xf32>
    %sub3A_259 = arith.subf %add3A_257, %slice3A_258 : vector<4096x128xf32>
    %max3A_260 = arith.constant 0.000000e+00 : f32
    %max3A_261 = vector.broadcast %max3A_260 : f32 to vector<4096x128xf32>
    %max3A_262 = arith.maximumf %sub3A_259, %max3A_261 : vector<4096x128xf32>
    %rsqrt3A_263 = math.rsqrt %max3A_262 : vector<4096x128xf32>
    %mul3A_264 = arith.mulf %max3A_262, %rsqrt3A_263 : vector<4096x128xf32>
    %lt3A_265 = arith.cmpf olt, %mul3A_264, %select_n3A_248 : vector<4096x128xf32>
    %select_n3A_266 = arith.select %lt3A_265, %mul3A_264, %select_n3A_248 : vector<4096x128xi1>, vector<4096x128xf32>
    %jit3A_267 = arith.constant 1.792000e+03 : f32
    %broadcast_in_dim3A_268 = vector.broadcast %jit3A_267 : f32 to vector<4096x128xf32>
    %select_n3A_269 = arith.select %lt3A_265, %broadcast_in_dim3A_268, %select_n3A_251 : vector<4096x128xi1>, vector<4096x128xf32>
    %get3A_270 = arith.constant 0 : index
    %get3A_271 = arith.constant 1920 : index
    %get3A_272 = vector.load %arg5[%get3A_270, %get3A_271] : memref<1x2048xf32, #tpu.memory_space<vmem>>, vector<1x128xf32>
    %add3A_273 = vector.broadcast %get3A_11 : vector<4096x1xf32> to vector<4096x128xf32>
    %add3A_274 = vector.broadcast %get3A_272 : vector<1x128xf32> to vector<4096x128xf32>
    %add3A_275 = arith.addf %add3A_273, %add3A_274 : vector<4096x128xf32>
    %slice3A_276 = vector.extract_strided_slice %dot_general3A_8 {offsets = [0, 1920], sizes = [4096, 128], strides = [1, 1]} : vector<4096x2048xf32> to vector<4096x128xf32>
    %sub3A_277 = arith.subf %add3A_275, %slice3A_276 : vector<4096x128xf32>
    %max3A_278 = arith.constant 0.000000e+00 : f32
    %max3A_279 = vector.broadcast %max3A_278 : f32 to vector<4096x128xf32>
    %max3A_280 = arith.maximumf %sub3A_277, %max3A_279 : vector<4096x128xf32>
    %rsqrt3A_281 = math.rsqrt %max3A_280 : vector<4096x128xf32>
    %mul3A_282 = arith.mulf %max3A_280, %rsqrt3A_281 : vector<4096x128xf32>
    %lt3A_283 = arith.cmpf olt, %mul3A_282, %select_n3A_266 : vector<4096x128xf32>
    %select_n3A_284 = arith.select %lt3A_283, %mul3A_282, %select_n3A_266 : vector<4096x128xi1>, vector<4096x128xf32>
    %jit3A_285 = arith.constant 1.920000e+03 : f32
    %broadcast_in_dim3A_286 = vector.broadcast %jit3A_285 : f32 to vector<4096x128xf32>
    %select_n3A_287 = arith.select %lt3A_283, %broadcast_in_dim3A_286, %select_n3A_269 : vector<4096x128xi1>, vector<4096x128xf32>
    %reduce_min3A = arith.constant dense<0x7F800000> : vector<4096xf32>
    %reduce_min3A_288 = vector.multi_reduction <minimumf>, %select_n3A_284, %reduce_min3A [1] : vector<4096x128xf32> to vector<4096xf32>
    %broadcast_in_dim3A_289 = vector.shape_cast %reduce_min3A_288 : vector<4096xf32> to vector<4096x1xf32>
    %iota3A = tpu.iota {dimensions = array<i32: 1>} : vector<4096x128xi32>
    %convert_element_type3A_290 = arith.sitofp %iota3A : vector<4096x128xi32> to vector<4096x128xf32>
    %eq3A_291 = vector.broadcast %broadcast_in_dim3A_289 : vector<4096x1xf32> to vector<4096x128xf32>
    %eq3A_292 = arith.cmpf oeq, %select_n3A_284, %eq3A_291 : vector<4096x128xf32>
    %add3A_293 = arith.addf %select_n3A_287, %convert_element_type3A_290 : vector<4096x128xf32>
    %jit3A_294 = arith.constant 3.000000e+38 : f32
    %broadcast_in_dim3A_295 = vector.broadcast %jit3A_294 : f32 to vector<4096x128xf32>
    %select_n3A_296 = arith.select %eq3A_292, %add3A_293, %broadcast_in_dim3A_295 : vector<4096x128xi1>, vector<4096x128xf32>
    %reduce_min3A_297 = arith.constant dense<0x7F800000> : vector<4096xf32>
    %reduce_min3A_298 = vector.multi_reduction <minimumf>, %select_n3A_296, %reduce_min3A_297 [1] : vector<4096x128xf32> to vector<4096xf32>
    %broadcast_in_dim3A_299 = vector.shape_cast %reduce_min3A_298 : vector<4096xf32> to vector<4096x1xf32>
    %mul3A_300 = arith.constant 2048 : i32
    %mul3A_301 = arith.muli %arg0, %mul3A_300 : i32
    %convert_element_type3A_302 = arith.fptosi %broadcast_in_dim3A_299 : vector<4096x1xf32> to vector<4096x1xi32>
    %add3A_303 = vector.broadcast %mul3A_301 : i32 to vector<4096x1xi32>
    %add3A_304 = arith.addi %add3A_303, %convert_element_type3A_302 : vector<4096x1xi32>
    %get3A_305 = arith.index_cast %mul3A_0 : i32 to index
    %get3A_306 = arith.constant 0 : index
    %get3A_307 = vector.load %arg7[%get3A_305, %get3A_306] : memref<8192x1xf32, #tpu.memory_space<vmem>>, vector<4096x1xf32>
    %lt3A_308 = arith.cmpf olt, %broadcast_in_dim3A_289, %get3A_307 : vector<4096x1xf32>
    %convert_element_type3A_309 = arith.truncf %broadcast_in_dim3A_289 : vector<4096x1xf32> to vector<4096x1xbf16>
    %convert_element_type3A_310 = arith.extf %convert_element_type3A_309 : vector<4096x1xbf16> to vector<4096x1xf32>
    %select_n3A_311 = arith.select %lt3A_308, %convert_element_type3A_310, %get3A_307 : vector<4096x1xi1>, vector<4096x1xf32>
    %swap3A = arith.index_cast %mul3A_0 : i32 to index
    %swap3A_312 = arith.constant 0 : index
    %swap3A_313 = vector.load %arg7[%swap3A, %swap3A_312] : memref<8192x1xf32, #tpu.memory_space<vmem>>, vector<4096x1xf32>
    tpu.vector_store %arg7[%swap3A, %swap3A_312], %select_n3A_311 {strides = array<i32>} : memref<8192x1xf32, #tpu.memory_space<vmem>>, vector<4096x1xf32>,
    %get3A_314 = arith.index_cast %mul3A_0 : i32 to index
    %get3A_315 = arith.constant 0 : index
    %get3A_316 = vector.load %arg8[%get3A_314, %get3A_315] : memref<8192x1xi32, #tpu.memory_space<vmem>>, vector<4096x1xi32>
    %select_n3A_317 = arith.select %lt3A_308, %add3A_304, %get3A_316 : vector<4096x1xi1>, vector<4096x1xi32>
    %swap3A_318 = arith.index_cast %mul3A_0 : i32 to index
    %swap3A_319 = arith.constant 0 : index
    %swap3A_320 = vector.load %arg8[%swap3A_318, %swap3A_319] : memref<8192x1xi32, #tpu.memory_space<vmem>>, vector<4096x1xi32>
    tpu.vector_store %arg8[%swap3A_318, %swap3A_319], %select_n3A_317 {strides = array<i32>} : memref<8192x1xi32, #tpu.memory_space<vmem>>, vector<4096x1xi32>,
    %eq3A_321 = arith.constant 3 : i32
    %eq3A_322 = arith.cmpi eq, %arg0, %eq3A_321 : i32
    %convert_element_type3A_323 = arith.extui %eq3A_322 : i1 to i32
    %cond3A_324 = arith.constant 0 : i32
    %cond3A_325 = arith.cmpi ne, %convert_element_type3A_323, %cond3A_324 : i32
    scf.if %cond3A_325 {
      %get3A_326 = arith.index_cast %mul3A_0 : i32 to index
      %get3A_327 = arith.constant 0 : index
      %get3A_328 = vector.load %arg8[%get3A_326, %get3A_327] : memref<8192x1xi32, #tpu.memory_space<vmem>>, vector<4096x1xi32>
      %swap3A_329 = arith.constant 0 : index
      %swap3A_330 = arith.constant 0 : index
      %swap3A_331 = vector.load %arg6[%swap3A_329, %swap3A_330] : memref<4096x1xi32, #tpu.memory_space<vmem>>, vector<4096x1xi32>
      tpu.vector_store %arg6[%swap3A_329, %swap3A_330], %get3A_328 {strides = array<i32>} : memref<4096x1xi32, #tpu.memory_space<vmem>>, vector<4096x1xi32>,
    } else {
    }
    return
  }
  func.func @transform_0(%arg0: i32, %arg1: i32) -> (i32, i32) {
    %c0_i32 = arith.constant 0 : i32
    %c0_i32_0 = arith.constant 0 : i32
    return %arg1, %c0_i32 : i32, i32
  }
  func.func @transform_1(%arg0: i32, %arg1: i32) -> (i32, i32) {
    %c0_i32 = arith.constant 0 : i32
    %c0_i32_0 = arith.constant 0 : i32
    return %arg0, %c0_i32 : i32, i32
  }
  func.func @transform_2(%arg0: i32, %arg1: i32) -> (i32, i32) {
    %c0_i32 = arith.constant 0 : i32
    %c0_i32_0 = arith.constant 0 : i32
    return %arg1, %c0_i32 : i32, i32
  }
  func.func @transform_3(%arg0: i32, %arg1: i32) -> (i32, i32) {
    %c0_i32 = arith.constant 0 : i32
    %c0_i32_0 = arith.constant 0 : i32
    return %c0_i32, %arg0 : i32, i32
  }
  func.func @transform_4(%arg0: i32, %arg1: i32) -> (i32, i32) {
    %c0_i32 = arith.constant 0 : i32
    %c0_i32_0 = arith.constant 0 : i32
    return %arg1, %c0_i32 : i32, i32
  }
}

module attributes {stable_mosaic.version = 14 : i64} {
  func.func @_st_loss_body(%arg0: i32, %arg1: memref<4096x256xf32, #tpu.memory_space<vmem>>, %arg2: memref<4096x256xf32, #tpu.memory_space<vmem>>, %arg3: memref<4096x256xf32, #tpu.memory_space<vmem>>, %arg4: memref<1x1xf32, #tpu.memory_space<smem>>, %arg5: memref<1xf32, #tpu.memory_space<smem>>) attributes {dimension_semantics = [#tpu.dimension_semantics<arbitrary>], iteration_bounds = array<i64: 2>, scalar_prefetch = 0 : i64, scratch_operands = 1 : i64, tpu.core_type = #tpu.core_type<tc>, window_params = [{transform_indices = @transform_0, window_bounds = array<i64: 4096, 256>}, {transform_indices = @transform_1, window_bounds = array<i64: 4096, 256>}, {transform_indices = @transform_2, window_bounds = array<i64: 4096, 256>}, {transform_indices = @transform_3, window_bounds = array<i64: 1, 1>}]} {
    %eq3A = arith.constant 0 : i32
    %eq3A_0 = arith.cmpi eq, %arg0, %eq3A : i32
    %convert_element_type3A = arith.extui %eq3A_0 : i1 to i32
    %cond3A = arith.constant 0 : i32
    %cond3A_1 = arith.cmpi ne, %convert_element_type3A, %cond3A : i32
    scf.if %cond3A_1 {
      %swap3A_26 = arith.constant 0.000000e+00 : f32
      %swap3A_27 = arith.constant 0 : index
      %swap3A_28 = memref.load %arg5[%swap3A_27] : memref<1xf32, #tpu.memory_space<smem>>
      memref.store %swap3A_26, %arg5[%swap3A_27] : memref<1xf32, #tpu.memory_space<smem>>
    } else {
    }
    %get3A = arith.constant 0 : index
    %get3A_2 = arith.constant 0 : index
    %get3A_3 = vector.load %arg2[%get3A, %get3A_2] : memref<4096x256xf32, #tpu.memory_space<vmem>>, vector<4096x256xf32>
    %get3A_4 = arith.constant 0 : index
    %get3A_5 = arith.constant 0 : index
    %get3A_6 = vector.load %arg1[%get3A_4, %get3A_5] : memref<4096x256xf32, #tpu.memory_space<vmem>>, vector<4096x256xf32>
    %sub3A = arith.subf %get3A_3, %get3A_6 : vector<4096x256xf32>
    %get3A_7 = arith.constant 0 : index
    %get3A_8 = arith.constant 0 : index
    %get3A_9 = vector.load %arg1[%get3A_7, %get3A_8] : memref<4096x256xf32, #tpu.memory_space<vmem>>, vector<4096x256xf32>
    %add3A = arith.addf %get3A_9, %sub3A : vector<4096x256xf32>
    %swap3A = arith.constant 0 : index
    %swap3A_10 = arith.constant 0 : index
    %swap3A_11 = vector.load %arg3[%swap3A, %swap3A_10] : memref<4096x256xf32, #tpu.memory_space<vmem>>, vector<4096x256xf32>
    tpu.vector_store %arg3[%swap3A, %swap3A_10], %add3A {strides = array<i32>} : memref<4096x256xf32, #tpu.memory_space<vmem>>, vector<4096x256xf32>,
    %get3A_12 = arith.constant 0 : index
    %get3A_13 = memref.load %arg5[%get3A_12] : memref<1xf32, #tpu.memory_space<smem>>
    %mul3A = arith.mulf %sub3A, %sub3A : vector<4096x256xf32>
    %reduce_sum3A = vector.shape_cast %mul3A : vector<4096x256xf32> to vector<1x4096x256xf32>
    %reduce_sum3A_14 = arith.constant dense<0.000000e+00> : vector<1xf32>
    %reduce_sum3A_15 = vector.multi_reduction <add>, %reduce_sum3A, %reduce_sum3A_14 [1, 2] : vector<1x4096x256xf32> to vector<1xf32>
    %reduce_sum3A_16 = vector.shape_cast %reduce_sum3A_15 : vector<1xf32> to vector<1x1x1xf32>
    %reduce_sum3A_17 = vector.extract %reduce_sum3A_16[0, 0, 0] : f32 from vector<1x1x1xf32>
    %add3A_18 = arith.addf %get3A_13, %reduce_sum3A_17 : f32
    %swap3A_19 = arith.constant 0 : index
    %swap3A_20 = memref.load %arg5[%swap3A_19] : memref<1xf32, #tpu.memory_space<smem>>
    memref.store %add3A_18, %arg5[%swap3A_19] : memref<1xf32, #tpu.memory_space<smem>>
    %eq3A_21 = arith.constant 1 : i32
    %eq3A_22 = arith.cmpi eq, %arg0, %eq3A_21 : i32
    %convert_element_type3A_23 = arith.extui %eq3A_22 : i1 to i32
    %cond3A_24 = arith.constant 0 : i32
    %cond3A_25 = arith.cmpi ne, %convert_element_type3A_23, %cond3A_24 : i32
    scf.if %cond3A_25 {
      %get3A_26 = arith.constant 0 : index
      %get3A_27 = memref.load %arg5[%get3A_26] : memref<1xf32, #tpu.memory_space<smem>>
      %swap3A_28 = arith.constant 0 : index
      %swap3A_29 = arith.constant 0 : index
      %swap3A_30 = memref.load %arg4[%swap3A_28, %swap3A_29] : memref<1x1xf32, #tpu.memory_space<smem>>
      memref.store %get3A_27, %arg4[%swap3A_28, %swap3A_29] : memref<1x1xf32, #tpu.memory_space<smem>>
    } else {
    }
    return
  }
  func.func @transform_0(%arg0: i32) -> (i32, i32) {
    %c0_i32 = arith.constant 0 : i32
    %c0_i32_0 = arith.constant 0 : i32
    return %arg0, %c0_i32 : i32, i32
  }
  func.func @transform_1(%arg0: i32) -> (i32, i32) {
    %c0_i32 = arith.constant 0 : i32
    %c0_i32_0 = arith.constant 0 : i32
    return %arg0, %c0_i32 : i32, i32
  }
  func.func @transform_2(%arg0: i32) -> (i32, i32) {
    %c0_i32 = arith.constant 0 : i32
    %c0_i32_0 = arith.constant 0 : i32
    return %arg0, %c0_i32 : i32, i32
  }
  func.func @transform_3(%arg0: i32) -> (i32, i32) {
    %c0_i32 = arith.constant 0 : i32
    %c0_i32_0 = arith.constant 0 : i32
    %c0_i32_1 = arith.constant 0 : i32
    return %c0_i32, %c0_i32_0 : i32, i32
  }
}

</mosaic_0001>

<sc_bundles>
// kernel: kernel.5.cloned.1.call-start
scs
__scs_entry_jumppad:
0x0: {  	(pc) =	sbr.rel $0x88, $3  }
0x1: {  	(tag) =	ssettag $0x0;
	lr =	simm.s32 $0x1  }
0x2: {  	[smem:$0x3F9F] =	sst lr;
	_ =	strace $0xD0000000  }
0x3: {  	_ = 	snop  }
0x4: {  	_ = 	snop  }
0x5: {  	_ = 	snop  }
0x6: {  	_ = 	snop  }
0x7: {  	_ = 	snop  }
__scs_overlays_trampoline_lowered:
0x8: {  	[smem:$0x3FAE] =	sst s0  }
0x9: {  	[smem:$0x3FAF] =	sst s1  }
0xa: {  	[smem:$0x3FB0] =	sst s2  }
0xb: {  	[smem:$0x3FB1] =	sst s3  }
0xc: {  	[smem:$0x3FB2] =	sst s4  }
0xd: {  	[smem:$0x3FB3] =	sst s5  }
0xe: {  	[smem:$0x3FB4] =	sst s6  }
0xf: {  	[smem:$0x3FB5] =	sst s7  }
0x10: {  	[smem:$0x3FB6] =	sst s8  }
0x11: {  	[smem:$0x3FB7] =	sst s9;
	s0 =	simm.s32 @!p0 $0x0  }
0x12: {  	s1 =	sld [smem:$0x3F9D];
	s0 =	simm.s32 @p0 $0x1  }
0x13: {  	[smem:$0x3FB8] =	sst s0;
	s0 =	simm.s32 @!p1 $0x0  }
0x14: {  	s2 =	sld [smem:$0x3F9C];
	s0 =	simm.s32 @p1 $0x1  }
0x15: {  	[smem:$0x3FB9] =	sst s0;
	s0 =	simm.s32 @!p2 $0x0  }
0x16: {  	s3 =	sld [smem:$0x3FDB];
	s0 =	simm.s32 @p2 $0x1  }
0x17: {  	s4 =	simm.s32 $0x1BF5;
	[smem:$0x3FBB] =	sst s0  }
0x18: {  	s0 =	sld [smem:$0x3F9E];
	_ =	swait.ge [sflag:s4], $0x0  }
0x19: {  	s7 =	sld [smem:$0x3F9F]  }
0x1a: {  	s8 =	sadd.s32 $0xFFFFE003, lr  }
0x1b: {  	s9 =	sadd.s32 $0xFFFFFEF7, lr;
	s5 =	simm.s32 $0xFFFFFFFF;
	p2 =	slt.u32 s8, $0xFFFFF086  }
0x1c: {  	p1 =	slt.u32 s9, $0xF7A;
	s5 =	simm.s32 @!p2 $0x0  }
0x1d: {  	s5 =	simm.s32 @p1 $0x1;
	p0 =	seq.s32 s7, s2  }
0x1e: {  	s7 =	smul.u32 @!p0 $0xF7A, s2;
	p2 =	seq.s32 @!p0 s5, $0x0  }
0x1f: {  	s9 =	smul.u32 $0xF7A, s1;
	s8 =	simm.s32 @!p0 $0x1BF5;
	p2 =	por !p2, p0  }
0x20: {  	[sflag:s8] =	ssyncset.s32 @!p0 $0xFFFFF086;
	s6 =	sadd.s32 @!p0 s3, s7;
	s7 =	simm.s32 @!p0 $0x108  }
0x21: {  	s3 =	sadd.s32 s3, s9;
	s6 =	sadd.s32 @!p0 $0x88, s6;
	s7 =	simm.s32 @p2 $0x1082  }
0x22: {  	[simem:s7], [sflag:s8] =	dma.local @!p0 [hbm:s6], $0xF7A  }
0x23: {  	s9 =	sor.u32 $0xD0000000, s2;
	s6 =	simm.s32 $0x108;
	_ =	swait.ge @!p0 [sflag:s8], $0x0  }
0x24: {  	s3 =	sadd.s32 $0x88, s3;
	s6 =	simm.s32 @!p1 $0x1082;
	[sflag:s4] =	ssyncset.s32 $0xFFFFF086  }
0x25: {  	[simem:s6], [sflag:s4] =	dma.local [hbm:s3], $0xF7A  }
0x26: {  	[smem:$0x3F9F] =	sst s1;
	(tag) =	ssettag s2;
	_ =	strace s9  }
0x27: {  	s1 =	sld [smem:$0x3FAF]  }
0x28: {  	s2 =	sld [smem:$0x3FB0]  }
0x29: {  	s4 =	sld [smem:$0x3FB2]  }
0x2a: {  	p0 =	seq.s32 s5, $0x0;
	s5 =	sld [smem:$0x3FB3]  }
0x2b: {  	s6 =	sld [smem:$0x3FB4]  }
0x2c: {  	s7 =	sld [smem:$0x3FB5]  }
0x2d: {  	s3 =	simm.s32 $0x108;
	s8 =	sld [smem:$0x3FB6]  }
0x2e: {  	s3 =	simm.s32 @!p0 $0x1082;
	s9 =	sld [smem:$0x3FB7]  }
0x2f: {  	lr =	sadd.s32 s0, s3;
	s0 =	sld [smem:$0x3FAE]  }
0x30: {  	s3 =	sld [smem:$0x3FB1]  }
0x31: {  	[smem:$0x3FBA] =	sst s10  }
0x32: {  	s10 =	sld [smem:$0x3FB8];
	_ =	sdelay $0x3  }
0x33: {  	p0 =	seq.s32 s10, $0x1;
	s10 =	sld [smem:$0x3FBA];
	_ =	sdelay $0x3  }
0x34: {  	[smem:$0x3FBA] =	sst s10  }
0x35: {  	s10 =	sld [smem:$0x3FB9];
	_ =	sdelay $0x3  }
0x36: {  	p1 =	seq.s32 s10, $0x1;
	s10 =	sld [smem:$0x3FBA];
	_ =	sdelay $0x3  }
0x37: {  	[smem:$0x3FBA] =	sst s10  }
0x38: {  	s10 =	sld [smem:$0x3FBB]  }
0x39: {  	_ = 	snop;
	(pc) =	sbr.ind lr, $3  }
0x3a: {  	_ = 	snop  }
0x3b: {  	_ = 	snop  }
0x3c: {  	p2 =	seq.s32 s10, $0x1;
	s10 =	sld [smem:$0x3FBA]  }
0x3d: {  	_ =	shalt  }
0x3e: {  	_ =	shalt  }
0x3f: {  	_ =	shalt  }
0x40: {  	_ =	shalt  }
0x41: {  	_ =	shalt  }
0x42: {  	_ =	shalt  }
0x43: {  	_ =	shalt  }
0x44: {  	_ =	shalt  }
0x45: {  	_ =	shalt  }
0x46: {  	_ =	shalt  }
0x47: {  	_ =	shalt  }
0x48: {  	_ =	shalt  }
0x49: {  	_ =	shalt  }
0x4a: {  	_ =	shalt  }
0x4b: {  	_ =	shalt  }
0x4c: {  	_ =	shalt  }
0x4d: {  	_ =	shalt  }
0x4e: {  	_ =	shalt  }
0x4f: {  	_ =	shalt  }
0x50: {  	_ =	shalt  }
0x51: {  	_ =	shalt  }
0x52: {  	_ =	shalt  }
0x53: {  	_ =	shalt  }
0x54: {  	_ =	shalt  }
0x55: {  	_ =	shalt  }
0x56: {  	_ =	shalt  }
0x57: {  	_ =	shalt  }
0x58: {  	_ =	shalt  }
0x59: {  	_ =	shalt  }
0x5a: {  	_ =	shalt  }
0x5b: {  	_ =	shalt  }
0x5c: {  	_ =	shalt  }
0x5d: {  	_ =	shalt  }
0x5e: {  	_ =	shalt  }
0x5f: {  	_ =	shalt  }
0x60: {  	_ =	shalt  }
0x61: {  	_ =	shalt  }
0x62: {  	_ =	shalt  }
0x63: {  	_ =	shalt  }
0x64: {  	_ =	shalt  }
0x65: {  	_ =	shalt  }
0x66: {  	_ =	shalt  }
0x67: {  	_ =	shalt  }
0x68: {  	_ =	shalt  }
0x69: {  	_ =	shalt  }
0x6a: {  	_ =	shalt  }
0x6b: {  	_ =	shalt  }
0x6c: {  	_ =	shalt  }
0x6d: {  	_ =	shalt  }
0x6e: {  	_ =	shalt  }
0x6f: {  	_ =	shalt  }
0x70: {  	_ =	shalt  }
0x71: {  	_ =	shalt  }
0x72: {  	_ =	shalt  }
0x73: {  	_ =	shalt  }
0x74: {  	_ =	shalt  }
0x75: {  	_ =	shalt  }
0x76: {  	_ =	shalt  }
0x77: {  	_ =	shalt  }
0x78: {  	_ =	shalt  }
0x79: {  	_ =	shalt  }
0x7a: {  	_ =	shalt  }
0x7b: {  	_ =	shalt  }
0x7c: {  	_ =	shalt  }
0x7d: {  	_ =	shalt  }
0x7e: {  	_ =	shalt  }
0x7f: {  	_ =	shalt  }
0x80: {  	_ =	shalt  }
0x81: {  	_ =	shalt  }
0x82: {  	_ =	shalt  }
0x83: {  	_ =	shalt  }
0x84: {  	_ =	shalt  }
0x85: {  	_ =	shalt  }
0x86: {  	_ =	shalt  }
0x87: {  	_ =	shalt  }
.Lfunc_end0:
.L_simem_size_0:
called_computation_lowered:
.L_overlay_start_0:
0x88: {  	s2 =	sld [smem:$0x3FD9]  }
0x89: {  	s3 =	sld [smem:$0x3FFE];
	_ =	sdelay $0x1  }
0x8a: {  	s1 =	srdreg.scid  }
0x8b: {  	s0 =	sand.u32 $0x1, s1  }
0x8c: {  	s15 =	sshll.u32 s0, $0xA;
	s2 =	sadd.s32 s3, s2  }
0x8d: {  	s2 =	sadd.s32 s2, s15  }
0x8e: {  	[smem:$0x3FC6] =	sst s2  }
0x8f: {  	_ = 	snop  }
0x90: {  	s2 =	sld [smem:$0x3FD0];
	_ =	sdelay $0x2  }
0x91: {  	s4 =	simm.s32 $0xA;
	s5 =	simm.s32 $0x10;
	s16 =	sld [smem:$0x3FC8]  }
0x92: {  	[smem:s5], [sflag:s4] =	dma.local [hbm:s2], $0x1  }
0x93: {  	_ =	swait.eq [sflag:s4], $0x1  }
0x94: {  	[sflag:s4] =	ssyncset.done $0x0  }
0x95: {  	s17 =	sld [smem:$0x10];
	[sflag:s4] =	ssyncadd.s32 $0xFFFFFFFF  }
0x96: {  	s18 =	sld [smem:$0x13];
	(tm) =	ssettm $0x1  }
0x97: {  	s19 =	sld [smem:$0x3FFB];
	_ =	sdelay $0x3  }
0x98: {  	_ =	strace s19  }
0x99: {  	s5 =	sld [smem:$0x3FFC];
	_ =	sdelay $0x3  }
0x9a: {  	_ =	strace s5  }
0x9b: {  	s5 =	sld [smem:$0x3FFD];
	_ =	sdelay $0x3  }
0x9c: {  	_ =	strace s5  }
0x9d: {  	_ =	strace $0x8FFFFFFF  }
0x9e: {  	s20 =	sld [smem:$0x3FDB];
	_ =	sdelay $0x1  }
0x9f: {  	s6 =	simm.s32 $_scs_section_size  }
0xa0: {  	s7 =	simm.s32 $_size__tile_overlayer_lowered;
	s8 =	simm.s32 $_tile_overlayer_lowered  }
0xa1: {  	s23 =	simm.s32 $0x1BFF;
	s22 =	sshll.u32 s8, $0x1;
	s5 =	sadd.s32 s6, s20  }
0xa2: {  	s9 =	simm.s32 $0x0;
	s21 =	sshll.u32 s7, $0x1;
	s7 =	sadd.s32 s22, s5  }
0xa3: {  	[timem:s9], [sflag:s23] =	dma.local [hbm:s7], s21  }
0xa4: {  	_ =	swait.ge [sflag:s23], s21  }
0xa5: {  	s6 =	ssub.s32 $0x0, s21;
	[sflag:s23] =	ssyncset.done $0x0  }
0xa6: {  	[sflag:s23] =	ssyncadd.s32 s6;
	_ =	sdelay $0x1  }
0xa7: {  	s24 =	simm.s32 $0x1B8B  }
0xa8: {  	_ =	swait.ge [sflag:s24], $0x1  }
0xa9: {  	[sflag:s24] =	ssyncset.done $0x0  }
0xaa: {  	s25 =	simm.s32 $0x1B8E;
	[sflag:s24] =	ssyncadd.s32 $0xFFFFFFFF  }
0xab: {  	s26 =	simm.s32 $execute0_lowered;
	[smem:$0x3FD2] =	sst s25  }
0xac: {  	s6 =	sshll.u32 s26, $0x1;
	_ =	strace $0x80000046;
	[dreg:$0x1] =	wrdreg $0xFFFFFFFF  }
0xad: {  	s28 =	simm.s32 $_size_execute0_lowered;
	s5 =	sadd.s32 s5, s6;
	[dreg:$0x0] =	wrdreg $0x0  }
0xae: {  	s6 =	sshll.u32 s28, $0x1;
	[dreg:$0x2] =	wrdreg s5  }
0xaf: {  	[dreg:$0x3] =	wrdreg s6  }
0xb0: {  	[dreg:$0x4] =	wrdreg $0xC0  }
0xb1: {  	_ =	task [dreg:s9], $0x5FFFF  }
0xb2: {  	[dreg:$0x1] =	wrdreg $0xFFFFFFFF  }
0xb3: {  	[dreg:$0x0] =	wrdreg $0x60  }
0xb4: {  	[dreg:$0x2] =	wrdreg s18  }
0xb5: {  	[dreg:$0x3] =	wrdreg s16  }
0xb6: {  	[dreg:$0x4] =	wrdreg s17  }
0xb7: {  	[dreg:$0x5] =	wrdreg $0x9  }
0xb8: {  	_ =	task.clear_ibuf [dreg:s9], $0x6FFFF;
	_ =	strace $0x90000046  }
0xb9: {  	s29 =	simm.s32 $0x9;
	_ =	strace $0x80000048  }
0xba: {  	_ =	swait.ge [sflag:s29], $0x1  }
0xbb: {  	[sflag:s29] =	ssyncadd.s32 $0xFFFFFFFF  }
0xbc: {  	_ =	strace $0x90000048  }
0xbd: {  	_ =	sfence  }
0xbe: {  	s30 =	sld [smem:$0x0];
	_ =	sdelay $0x2  }
0xbf: {  	s31 =	sshll.u32 s1, $0xD;
	s1 =	sshrl.u32 s1, $0x2  }
0xc0: {  	s3 =	sand.u32 $0x4000, s31;
	s1 =	sadd.s32 s1, s30  }
0xc1: {  	s0 =	sor.u32 s3, s0;
	s1 =	sshll.u32 s1, $0x11  }
0xc2: {  	s0 =	sor.u32 s1, s0  }
0xc3: {  	s0 =	sadd.s32 $0x8F2B, s0  }
0xc4: {  	[sflag:s0] =	ssyncadd.remote.s32 $0x1  }
0xc5: {  	_ =	sfence.sel $0xFFFF  }
0xc6: {  	[dreg:$0x0] =	wrdreg $0xFFFFFFFF;
	(pc) =	sbr.abs _section_cstart, $3  }
0xc7: {  	[dreg:$0x1] =	wrdreg $0xFFFFFFFF  }
0xc8: {  	_ =	task.clear_ibuf [dreg:s9], $0x2FFFF;
	_ =	strace $0x9FFFFFFF  }
0xc9: {  	(tm) =	ssettm $0x7FFFFFFF  }
tec
execute0_lowered:
.L_overlay_start_1:
0x0: {  	(tag) =	ssettag $0x1  }
0x1: {  	s1 =	rddreg [dreg:$0x0]  }
0x2: {  	s3 =	srdreg.scid;
	s2 =	rddreg [dreg:$0x1]  }
0x3: {  	s0 =	stileid.u32;
	s5 =	rddreg [dreg:$0x2]  }
0x4: {  	s19 =	simm.s32 $0x900;
	s20 =	simm.s32 $0x1100;
	s21 =	simm.s32 $0x1900  }
0x5: {  	s23 =	simm.s32 $0x2100;
	s24 =	simm.s32 $0x2900;
	s25 =	simm.s32 $0x3100  }
0x6: {  	s26 =	simm.s32 $0x3900;
	s8 =	simm.s32 $0x4900;
	s9 =	simm.s32 $0x5100  }
0x7: {  	s10 =	simm.s32 $0x5900;
	s11 =	simm.s32 $0x6100;
	s12 =	simm.s32 $0x6900  }
0x8: {  	s13 =	simm.s32 $0x7100;
	s4 =	sand.u32 $0x1, s3;
	s3 =	simm.s32 $0x0  }
0x9: {  	s14 =	simm.s32 $0x7900;
	s15 =	simm.s32 $0x8100;
	[smem:$0x7FF] =	sst s3  }
0xa: {  	s16 =	simm.s32 $0x8900;
	_ =	strace $0x80000047;
	[dreg:$0x6] =	wrdreg s19  }
0xb: {  	s17 =	simm.s32 $0x9100;
	s28 =	simm.s32 $0xE100;
	[dreg:$0x7] =	wrdreg s20  }
0xc: {  	s29 =	simm.s32 $0xE900;
	s30 =	simm.s32 $0xF100;
	[dreg:$0x8] =	wrdreg s21  }
0xd: {  	s31 =	simm.s32 $0xF900;
	s6 =	sshll.u32 s0, $0x9;
	[dreg:$0x9] =	wrdreg s23  }
0xe: {  	s7 =	sshll.u32 s4, $0x8;
	s4 =	ssub.s32 $0x2, s4;
	[dreg:$0xa] =	wrdreg s24  }
0xf: {  	s6 =	sor.u32 s7, s6;
	s22 =	sshrl.u32 s4, $0x1;
	[dreg:$0xb] =	wrdreg s25  }
0x10: {  	[dreg:$0xc] =	wrdreg s26;
	s19 =	simm.s32 $0xA100;
	s20 =	simm.s32 $0xA900  }
0x11: {  	s21 =	simm.s32 $0xB100;
	s23 =	simm.s32 $0xC100;
	s24 =	simm.s32 $0xC900  }
0x12: {  	s25 =	simm.s32 $0xD100;
	s26 =	simm.s32 $0xD900;
	s7 =	sshrl.u32 s6, $0x3  }
0x13: {  	s6 =	sshll.u32 s6, $0x5;
	s4 =	ssub.s32 s4, s22;
	s22 =	simm.s32 $0xB900  }
0x14: {  	v2 =	vlaneseq.u32;
	s1 =	sadd.s32 s1, s7;
	s18 =	sadd.s32 s5, s6;
	s4 =	smax.u32 s4, $0x1  }
0x15: {  	vm0 =	vmmov $0xffff;
	v1 =	vshrl.u32 v2, $0x3;
	s5 =	simm.s32 $0x2;
	s6 =	simm.s32 $0x100;
	[dreg:$0x4] =	wrdreg s1  }
0x16: {  	v0 =	vand.u32 $0x7, v2;
	v2 =	vor.u32 $0x8, v2;
	v1 =	vmul.u32 $0x8, v1;
	[dreg:$0x5] =	wrdreg s18;
	s18 =	simm.s32 $0x9900;
	s1 =	simm.s32 $0x1  }
.LBB2_1:
0x17: {  	s0 =	rddreg [dreg:$0x4]  }
0x18: {  	[tilespmem:s3], [sflag:$0x2] =	stream.linear.gather [hbm4b:s0+s3], $0x100, $0x38;
	[tilespmem:$0x10100] =	vst v63  }
0x19: {  	_ =	swait.ge [sflag:s5], $0x100  }
0x1a: {  	[sflag:s5] =	ssyncset.done $0x0  }
0x1b: {  	[sflag:s5] =	ssyncadd.s32 $0xFFFFFF00  }
0x1c: {  	v3 =	vld [tilespmem:$0x0];
	_ =	sdelay $0x4  }
0x1d: {  	v4 =	vshll.u32 v3, $0x1  }
0x1e: {  	v3 =	vand.u32 $0x7, v3;
	v4 =	vand.u32 $0xFFFFFFF0, v4  }
0x1f: {  	v3 =	vor.u32 v3, v4  }
0x20: {  	v4 =	vperm.xlane v3, v0;
	_ =	sdelay $0x1  }
0x21: {  	v3 =	vperm.xlane v3, v2;
	v4 =	vadd.s32 v1, v4;
	_ =	sdelay $0x1  }
0x22: {  	v3 =	vadd.s32 v1, v3;
	_ =	sdelay $0x2  }
0x23: {  	[tilespmem:s6], [sflag:$0x1] =	stream.indirect_vreg.gather [hbm4b:s2+s3], $0x80, v4, vm0, $0xb8;
	[tilespmem:$0x10100] =	vst v63  }
0x24: {  	s7 =	rddreg [dreg:$0x6]  }
0x25: {  	[tilespmem:s7], [sflag:$0x1] =	stream.indirect_vreg.gather [hbm4b:s2+s3], $0x80, v3, vm0, $0xb8;
	[tilespmem:$0x10100] =	vst v63  }
0x26: {  	v3 =	vld [tilespmem:$0x10];
	_ =	sdelay $0x4  }
0x27: {  	v49 =	vshll.u32 v3, $0x1  }
0x28: {  	v3 =	vand.u32 $0x7, v3;
	v4 =	vand.u32 $0xFFFFFFF0, v49  }
0x29: {  	v3 =	vor.u32 v3, v4  }
0x2a: {  	v4 =	vperm.xlane v3, v0;
	_ =	sdelay $0x1  }
0x2b: {  	v3 =	vperm.xlane v3, v2;
	v4 =	vadd.s32 v1, v4;
	_ =	sdelay $0x1  }
0x2c: {  	v3 =	vadd.s32 v1, v3;
	_ =	sdelay $0x1  }
0x2d: {  	s0 =	rddreg [dreg:$0x7]  }
0x2e: {  	[tilespmem:s0], [sflag:$0x1] =	stream.indirect_vreg.gather [hbm4b:s2+s3], $0x80, v4, vm0, $0xb8;
	[tilespmem:$0x10100] =	vst v63  }
0x2f: {  	s7 =	rddreg [dreg:$0x8]  }
0x30: {  	[tilespmem:s7], [sflag:$0x1] =	stream.indirect_vreg.gather [hbm4b:s2+s3], $0x80, v3, vm0, $0xb8;
	[tilespmem:$0x10100] =	vst v63  }
0x31: {  	v3 =	vld [tilespmem:$0x20];
	_ =	sdelay $0x4  }
0x32: {  	v50 =	vshll.u32 v3, $0x1  }
0x33: {  	v3 =	vand.u32 $0x7, v3;
	v4 =	vand.u32 $0xFFFFFFF0, v50  }
0x34: {  	v3 =	vor.u32 v3, v4  }
0x35: {  	v4 =	vperm.xlane v3, v0;
	_ =	sdelay $0x1  }
0x36: {  	v3 =	vperm.xlane v3, v2;
	v4 =	vadd.s32 v1, v4;
	_ =	sdelay $0x1  }
0x37: {  	v3 =	vadd.s32 v1, v3;
	_ =	sdelay $0x1  }
0x38: {  	s0 =	rddreg [dreg:$0x9]  }
0x39: {  	[tilespmem:s0], [sflag:$0x1] =	stream.indirect_vreg.gather [hbm4b:s2+s3], $0x80, v4, vm0, $0xb8;
	[tilespmem:$0x10100] =	vst v63  }
0x3a: {  	s7 =	rddreg [dreg:$0xa]  }
0x3b: {  	[tilespmem:s7], [sflag:$0x1] =	stream.indirect_vreg.gather [hbm4b:s2+s3], $0x80, v3, vm0, $0xb8;
	[tilespmem:$0x10100] =	vst v63  }
0x3c: {  	v3 =	vld [tilespmem:$0x30];
	_ =	sdelay $0x4  }
0x3d: {  	v51 =	vshll.u32 v3, $0x1  }
0x3e: {  	v3 =	vand.u32 $0x7, v3;
	v4 =	vand.u32 $0xFFFFFFF0, v51  }
0x3f: {  	v3 =	vor.u32 v3, v4  }
0x40: {  	v4 =	vperm.xlane v3, v0;
	_ =	sdelay $0x1  }
0x41: {  	v3 =	vperm.xlane v3, v2;
	v4 =	vadd.s32 v1, v4;
	_ =	sdelay $0x1  }
0x42: {  	v3 =	vadd.s32 v1, v3;
	_ =	sdelay $0x1  }
0x43: {  	s0 =	rddreg [dreg:$0xb]  }
0x44: {  	[tilespmem:s0], [sflag:$0x1] =	stream.indirect_vreg.gather [hbm4b:s2+s3], $0x80, v4, vm0, $0xb8;
	[tilespmem:$0x10100] =	vst v63  }
0x45: {  	s7 =	rddreg [dreg:$0xc]  }
0x46: {  	[tilespmem:s7], [sflag:$0x1] =	stream.indirect_vreg.gather [hbm4b:s2+s3], $0x80, v3, vm0, $0xb8;
	[tilespmem:$0x10100] =	vst v63  }
0x47: {  	v3 =	vld [tilespmem:$0x40];
	_ =	sdelay $0x4  }
0x48: {  	v52 =	vshll.u32 v3, $0x1  }
0x49: {  	v3 =	vand.u32 $0x7, v3;
	v4 =	vand.u32 $0xFFFFFFF0, v52  }
0x4a: {  	v3 =	vor.u32 v3, v4  }
0x4b: {  	v4 =	vperm.xlane v3, v0;
	_ =	sdelay $0x1  }
0x4c: {  	v3 =	vperm.xlane v3, v2;
	v4 =	vadd.s32 v1, v4;
	_ =	sdelay $0x1  }
0x4d: {  	v3 =	vadd.s32 v1, v3;
	_ =	sdelay $0x1  }
0x4e: {  	s7 =	simm.s32 $0x4100  }
0x4f: {  	[tilespmem:s7], [sflag:$0x1] =	stream.indirect_vreg.gather [hbm4b:s2+s3], $0x80, v4, vm0, $0xb8;
	[tilespmem:$0x10100] =	vst v63  }
0x50: {  	_ = 	snop  }
0x51: {  	[tilespmem:s8], [sflag:$0x1] =	stream.indirect_vreg.gather [hbm4b:s2+s3], $0x80, v3, vm0, $0xb8;
	[tilespmem:$0x10100] =	vst v63  }
0x52: {  	v3 =	vld [tilespmem:$0x50];
	_ =	sdelay $0x4  }
0x53: {  	v53 =	vshll.u32 v3, $0x1  }
0x54: {  	v3 =	vand.u32 $0x7, v3;
	v4 =	vand.u32 $0xFFFFFFF0, v53  }
0x55: {  	v3 =	vor.u32 v3, v4  }
0x56: {  	v4 =	vperm.xlane v3, v0;
	_ =	sdelay $0x1  }
0x57: {  	v3 =	vperm.xlane v3, v2;
	v4 =	vadd.s32 v1, v4;
	_ =	sdelay $0x1  }
0x58: {  	v3 =	vadd.s32 v1, v3;
	_ =	sdelay $0x2  }
0x59: {  	[tilespmem:s9], [sflag:$0x1] =	stream.indirect_vreg.gather [hbm4b:s2+s3], $0x80, v4, vm0, $0xb8;
	[tilespmem:$0x10100] =	vst v63  }
0x5a: {  	_ = 	snop  }
0x5b: {  	[tilespmem:s10], [sflag:$0x1] =	stream.indirect_vreg.gather [hbm4b:s2+s3], $0x80, v3, vm0, $0xb8;
	[tilespmem:$0x10100] =	vst v63  }
0x5c: {  	v3 =	vld [tilespmem:$0x60];
	_ =	sdelay $0x4  }
0x5d: {  	v54 =	vshll.u32 v3, $0x1  }
0x5e: {  	v3 =	vand.u32 $0x7, v3;
	v4 =	vand.u32 $0xFFFFFFF0, v54  }
0x5f: {  	v3 =	vor.u32 v3, v4  }
0x60: {  	v4 =	vperm.xlane v3, v0;
	_ =	sdelay $0x1  }
0x61: {  	v3 =	vperm.xlane v3, v2;
	v4 =	vadd.s32 v1, v4;
	_ =	sdelay $0x1  }
0x62: {  	v3 =	vadd.s32 v1, v3;
	_ =	sdelay $0x2  }
0x63: {  	[tilespmem:s11], [sflag:$0x1] =	stream.indirect_vreg.gather [hbm4b:s2+s3], $0x80, v4, vm0, $0xb8;
	[tilespmem:$0x10100] =	vst v63  }
0x64: {  	_ = 	snop  }
0x65: {  	[tilespmem:s12], [sflag:$0x1] =	stream.indirect_vreg.gather [hbm4b:s2+s3], $0x80, v3, vm0, $0xb8;
	[tilespmem:$0x10100] =	vst v63  }
0x66: {  	v3 =	vld [tilespmem:$0x70];
	_ =	sdelay $0x4  }
0x67: {  	v55 =	vshll.u32 v3, $0x1  }
0x68: {  	v3 =	vand.u32 $0x7, v3;
	v4 =	vand.u32 $0xFFFFFFF0, v55  }
0x69: {  	v3 =	vor.u32 v3, v4  }
0x6a: {  	v4 =	vperm.xlane v3, v0;
	_ =	sdelay $0x1  }
0x6b: {  	v3 =	vperm.xlane v3, v2;
	v4 =	vadd.s32 v1, v4;
	_ =	sdelay $0x1  }
0x6c: {  	v3 =	vadd.s32 v1, v3;
	_ =	sdelay $0x2  }
0x6d: {  	[tilespmem:s13], [sflag:$0x1] =	stream.indirect_vreg.gather [hbm4b:s2+s3], $0x80, v4, vm0, $0xb8;
	[tilespmem:$0x10100] =	vst v63  }
0x6e: {  	_ = 	snop  }
0x6f: {  	[tilespmem:s14], [sflag:$0x1] =	stream.indirect_vreg.gather [hbm4b:s2+s3], $0x80, v3, vm0, $0xb8;
	[tilespmem:$0x10100] =	vst v63  }
0x70: {  	v3 =	vld [tilespmem:$0x80];
	_ =	sdelay $0x4  }
0x71: {  	v56 =	vshll.u32 v3, $0x1  }
0x72: {  	v3 =	vand.u32 $0x7, v3;
	v4 =	vand.u32 $0xFFFFFFF0, v56  }
0x73: {  	v3 =	vor.u32 v3, v4  }
0x74: {  	v4 =	vperm.xlane v3, v0;
	_ =	sdelay $0x1  }
0x75: {  	v3 =	vperm.xlane v3, v2;
	v4 =	vadd.s32 v1, v4;
	_ =	sdelay $0x1  }
0x76: {  	v3 =	vadd.s32 v1, v3;
	_ =	sdelay $0x2  }
0x77: {  	[tilespmem:s15], [sflag:$0x1] =	stream.indirect_vreg.gather [hbm4b:s2+s3], $0x80, v4, vm0, $0xb8;
	[tilespmem:$0x10100] =	vst v63  }
0x78: {  	_ = 	snop  }
0x79: {  	[tilespmem:s16], [sflag:$0x1] =	stream.indirect_vreg.gather [hbm4b:s2+s3], $0x80, v3, vm0, $0xb8;
	[tilespmem:$0x10100] =	vst v63  }
0x7a: {  	v3 =	vld [tilespmem:$0x90];
	_ =	sdelay $0x4  }
0x7b: {  	v57 =	vshll.u32 v3, $0x1  }
0x7c: {  	v3 =	vand.u32 $0x7, v3;
	v4 =	vand.u32 $0xFFFFFFF0, v57  }
0x7d: {  	v3 =	vor.u32 v3, v4  }
0x7e: {  	v4 =	vperm.xlane v3, v0;
	_ =	sdelay $0x1  }
0x7f: {  	v3 =	vperm.xlane v3, v2;
	v4 =	vadd.s32 v1, v4;
	_ =	sdelay $0x1  }
0x80: {  	v3 =	vadd.s32 v1, v3;
	_ =	sdelay $0x2  }
0x81: {  	[tilespmem:s17], [sflag:$0x1] =	stream.indirect_vreg.gather [hbm4b:s2+s3], $0x80, v4, vm0, $0xb8;
	[tilespmem:$0x10100] =	vst v63  }
0x82: {  	_ = 	snop  }
0x83: {  	[tilespmem:s18], [sflag:$0x1] =	stream.indirect_vreg.gather [hbm4b:s2+s3], $0x80, v3, vm0, $0xb8;
	[tilespmem:$0x10100] =	vst v63  }
0x84: {  	v3 =	vld [tilespmem:$0xA0];
	_ =	sdelay $0x4  }
0x85: {  	v58 =	vshll.u32 v3, $0x1  }
0x86: {  	v3 =	vand.u32 $0x7, v3;
	v4 =	vand.u32 $0xFFFFFFF0, v58  }
0x87: {  	v3 =	vor.u32 v3, v4  }
0x88: {  	v4 =	vperm.xlane v3, v0;
	_ =	sdelay $0x1  }
0x89: {  	v3 =	vperm.xlane v3, v2;
	v4 =	vadd.s32 v1, v4;
	_ =	sdelay $0x1  }
0x8a: {  	v3 =	vadd.s32 v1, v3;
	_ =	sdelay $0x2  }
0x8b: {  	[tilespmem:s19], [sflag:$0x1] =	stream.indirect_vreg.gather [hbm4b:s2+s3], $0x80, v4, vm0, $0xb8;
	[tilespmem:$0x10100] =	vst v63  }
0x8c: {  	_ = 	snop  }
0x8d: {  	[tilespmem:s20], [sflag:$0x1] =	stream.indirect_vreg.gather [hbm4b:s2+s3], $0x80, v3, vm0, $0xb8;
	[tilespmem:$0x10100] =	vst v63  }
0x8e: {  	v3 =	vld [tilespmem:$0xB0];
	_ =	sdelay $0x4  }
0x8f: {  	v59 =	vshll.u32 v3, $0x1  }
0x90: {  	v3 =	vand.u32 $0x7, v3;
	v4 =	vand.u32 $0xFFFFFFF0, v59  }
0x91: {  	v3 =	vor.u32 v3, v4  }
0x92: {  	v4 =	vperm.xlane v3, v0;
	_ =	sdelay $0x1  }
0x93: {  	v3 =	vperm.xlane v3, v2;
	v4 =	vadd.s32 v1, v4;
	_ =	sdelay $0x1  }
0x94: {  	v3 =	vadd.s32 v1, v3;
	_ =	sdelay $0x2  }
0x95: {  	[tilespmem:s21], [sflag:$0x1] =	stream.indirect_vreg.gather [hbm4b:s2+s3], $0x80, v4, vm0, $0xb8;
	[tilespmem:$0x10100] =	vst v63  }
0x96: {  	_ = 	snop  }
0x97: {  	[tilespmem:s22], [sflag:$0x1] =	stream.indirect_vreg.gather [hbm4b:s2+s3], $0x80, v3, vm0, $0xb8;
	[tilespmem:$0x10100] =	vst v63  }
0x98: {  	v3 =	vld [tilespmem:$0xC0];
	_ =	sdelay $0x4  }
0x99: {  	v60 =	vshll.u32 v3, $0x1  }
0x9a: {  	v3 =	vand.u32 $0x7, v3;
	v4 =	vand.u32 $0xFFFFFFF0, v60  }
0x9b: {  	v3 =	vor.u32 v3, v4  }
0x9c: {  	v4 =	vperm.xlane v3, v0;
	_ =	sdelay $0x1  }
0x9d: {  	v3 =	vperm.xlane v3, v2;
	v4 =	vadd.s32 v1, v4;
	_ =	sdelay $0x1  }
0x9e: {  	v3 =	vadd.s32 v1, v3;
	_ =	sdelay $0x2  }
0x9f: {  	[tilespmem:s23], [sflag:$0x1] =	stream.indirect_vreg.gather [hbm4b:s2+s3], $0x80, v4, vm0, $0xb8;
	[tilespmem:$0x10100] =	vst v63  }
0xa0: {  	_ = 	snop  }
0xa1: {  	[tilespmem:s24], [sflag:$0x1] =	stream.indirect_vreg.gather [hbm4b:s2+s3], $0x80, v3, vm0, $0xb8;
	[tilespmem:$0x10100] =	vst v63  }
0xa2: {  	v3 =	vld [tilespmem:$0xD0];
	_ =	sdelay $0x4  }
0xa3: {  	v61 =	vshll.u32 v3, $0x1  }
0xa4: {  	v3 =	vand.u32 $0x7, v3;
	v4 =	vand.u32 $0xFFFFFFF0, v61  }
0xa5: {  	v3 =	vor.u32 v3, v4  }
0xa6: {  	v4 =	vperm.xlane v3, v0;
	_ =	sdelay $0x1  }
0xa7: {  	v3 =	vperm.xlane v3, v2;
	v4 =	vadd.s32 v1, v4;
	_ =	sdelay $0x1  }
0xa8: {  	v3 =	vadd.s32 v1, v3;
	_ =	sdelay $0x2  }
0xa9: {  	[tilespmem:s25], [sflag:$0x1] =	stream.indirect_vreg.gather [hbm4b:s2+s3], $0x80, v4, vm0, $0xb8;
	[tilespmem:$0x10100] =	vst v63  }
0xaa: {  	_ = 	snop  }
0xab: {  	[tilespmem:s26], [sflag:$0x1] =	stream.indirect_vreg.gather [hbm4b:s2+s3], $0x80, v3, vm0, $0xb8;
	[tilespmem:$0x10100] =	vst v63  }
0xac: {  	v3 =	vld [tilespmem:$0xE0];
	_ =	sdelay $0x4  }
0xad: {  	v62 =	vshll.u32 v3, $0x1  }
0xae: {  	v3 =	vand.u32 $0x7, v3;
	v4 =	vand.u32 $0xFFFFFFF0, v62  }
0xaf: {  	v3 =	vor.u32 v3, v4  }
0xb0: {  	v4 =	vperm.xlane v3, v0;
	_ =	sdelay $0x1  }
0xb1: {  	v3 =	vperm.xlane v3, v2;
	v4 =	vadd.s32 v1, v4;
	_ =	sdelay $0x1  }
0xb2: {  	v3 =	vadd.s32 v1, v3;
	_ =	sdelay $0x2  }
0xb3: {  	[tilespmem:s28], [sflag:$0x1] =	stream.indirect_vreg.gather [hbm4b:s2+s3], $0x80, v4, vm0, $0xb8;
	[tilespmem:$0x10100] =	vst v63  }
0xb4: {  	_ = 	snop  }
0xb5: {  	[tilespmem:s29], [sflag:$0x1] =	stream.indirect_vreg.gather [hbm4b:s2+s3], $0x80, v3, vm0, $0xb8;
	[tilespmem:$0x10100] =	vst v63  }
0xb6: {  	v3 =	vld [tilespmem:$0xF0];
	_ =	sdelay $0x4  }
0xb7: {  	v63 =	vshll.u32 v3, $0x1  }
0xb8: {  	v3 =	vand.u32 $0x7, v3;
	v4 =	vand.u32 $0xFFFFFFF0, v63  }
0xb9: {  	v3 =	vor.u32 v3, v4  }
0xba: {  	v4 =	vperm.xlane v3, v0;
	_ =	sdelay $0x1  }
0xbb: {  	v3 =	vperm.xlane v3, v2;
	v4 =	vadd.s32 v1, v4;
	_ =	sdelay $0x1  }
0xbc: {  	v3 =	vadd.s32 v1, v3;
	_ =	sdelay $0x2  }
0xbd: {  	[tilespmem:s30], [sflag:$0x1] =	stream.indirect_vreg.gather [hbm4b:s2+s3], $0x80, v4, vm0, $0xb8;
	[tilespmem:$0x10100] =	vst v63  }
0xbe: {  	_ = 	snop  }
0xbf: {  	[tilespmem:s31], [sflag:$0x1] =	stream.indirect_vreg.gather [hbm4b:s2+s3], $0x80, v3, vm0, $0xb8;
	[tilespmem:$0x10100] =	vst v63  }
0xc0: {  	_ =	swait.ge [sflag:s1], $0x10000  }
0xc1: {  	p0 =	sne.s32 s4, $0x1;
	[sflag:s1] =	ssyncset.done $0x0  }
.Ltmp0:
0xc2: {  	s7 =	rddreg [dreg:$0x5];
	[sflag:s1] =	ssyncadd.s32 $0xFFFF0000;
	(pc) =	sbr.rel @p0 .LBB2_1-.Ltmp0, $4  }
0xc3: {  	[hbm4b:s7+s3] =	stream.linear.scatter [tilespmem:s6], [sflag:$0x2], $0x10000, $0x38;
	[tilespmem:$0x10100] =	vst v63  }
0xc4: {  	_ =	swait.ge [sflag:s5], $0x10000  }
0xc5: {  	[sflag:s5] =	ssyncset.done $0x0  }
0xc6: {  	s4 =	sadd.s32 $0xFFFFFFFF, s4;
	[sflag:s5] =	ssyncadd.s32 $0xFFFF0000  }
0xc7: {  	_ =	sfence.sel $0x180000  }
0xc8: {  	[bflag:$0x0] =	sbarrier.arrive $0xFFFF  }
0xc9: {  	_ =	strace $0x90000047  }
0xca: {  	s0 =	stileid.u32;
	[bflag:$0x2] =	sbarrier.arrive $0xFFFF  }
0xcb: {  	p0 =	sne.s32 s0, $0x0;
	s0 =	rddreg [dreg:$0x3]  }
0xcc: {  	s0 =	sadd.s32 @!p0 $0x100000, s0  }
0xcd: {  	[sflag:s0] =	ssyncadd.tile.s32 @!p0 $0x1;
	_ =	shalt  }
.Lfunc_end2:
_tile_overlayer_lowered:
.L_overlay_start_2:
0xce: {  	(tag) =	ssettag $0x2  }
0xcf: {  	s0 =	rddreg [dreg:$0x0];
	s2 =	stileid.u32  }
0xd0: {  	s1 =	rddreg [dreg:$0x1];
	p0 =	sne.s32 s2, $0x0  }
0xd1: {  	s3 =	rddreg [dreg:$0x2];
	[bflag:$0x3] =	sbarrier.arrive $0xFFFF;
	s2 =	simm.s32 @!p0 $0x1C02  }
0xd2: {  	[timem:s3], [sflag:s2] =	dma.local @!p0 [hbm:s0], s1  }
0xd3: {  	s0 =	simm.s32 @!p0 $0x2  }
0xd4: {  	_ =	swait.ge @!p0 [sflag:s0], s1  }
0xd5: {  	s1 =	ssub.s32 @!p0 $0x0, s1;
	[sflag:s0] =	ssyncset.done @!p0 $0x0  }
0xd6: {  	[sflag:s0] =	ssyncadd.s32 @!p0 s1  }
0xd7: {  	[bflag:$0x3] =	sbarrier.arrive $0xFFFF  }
0xd8: {  	_ =	shalt  }

</sc_bundles>
